<compile_context>
chip_gen: v7x
topology: tpu7x:2x2x1
jax: 0.10.2.dev20260603
libtpu: 0.0.44.dev20260713+nightly
codegen_flags: <defaults>
</compile_context>

<pallas_src>
import functools

import jax
import jax.numpy as jnp
from jax import lax
from jax.experimental import pallas as pl
from jax.experimental.pallas import tpu as pltpu
from jax.experimental.pallas import tpu_sc as plsc

B = 4096
N_TOK = 200
D = 64
V = 1000000
NC = 2
NS = 16
NW = NC * NS
BL = 128
NBC = B // BL
E8 = D // 8
TP = 2
NP = N_TOK // TP

VT = (V + BL - 1) // BL
VT_FULL = V // BL
VP_PAD = VT * (BL // 2)
A_ITERS = (VT + NW - 1) // NW

_mesh = plsc.VectorSubcoreMesh(core_axis_name="c", subcore_axis_name="s")
_cparams = pltpu.CompilerParams(
    use_tc_tiling_on_sc=True, needs_layout_passes=False
)


@functools.partial(
    pl.kernel,
    mesh=_mesh,
    compiler_params=_cparams,
    out_type=jax.ShapeDtypeStruct((VP_PAD, 2 * D), jnp.float32),
    scratch_types=[
        pltpu.VMEM((2, D, BL), jnp.float32),
        pltpu.VMEM((2, D, BL), jnp.float32),
        pltpu.SemaphoreType.DMA((2,)),
        pltpu.SemaphoreType.DMA((2,)),
    ],
)
def _fmt_kernel(tt_hbm, out_hbm, s_v, stage_v, gsem, wsem):
    wid = lax.axis_index("s") * NC + lax.axis_index("c")
    viota = lax.iota(jnp.int32, 16)

    def issue_read(vt, sbuf):
        @pl.when(vt <= VT_FULL)
        def _():
            pltpu.async_copy(
                tt_hbm.at[:, pl.ds(vt * BL, BL)], s_v.at[sbuf], gsem.at[sbuf]
            )

    issue_read(wid, 0)

    def tile_body(i, carry):
        vt = wid + i * NW
        buf = lax.rem(i, 2)
        nbuf = 1 - buf

        issue_read(wid + (i + 1) * NW, nbuf)

        @pl.when(vt <= VT_FULL)
        def _():
            pltpu.make_async_copy(
                tt_hbm.at[:, pl.ds(vt * BL, BL)], s_v.at[buf], gsem.at[buf]
            ).wait()

        @pl.when(jnp.logical_and(vt <= VT_FULL, i >= 2))
        def _():
            pltpu.make_async_copy(
                stage_v.at[buf],
                out_hbm.at[pl.ds(vt * (BL // 2), D), :],
                wsem.at[buf],
            ).wait()

        @pl.when(vt <= VT_FULL)
        def _():
            s_buf = s_v.at[buf]
            st_buf = stage_v.at[buf]

            @plsc.parallel_loop(0, D, 1, unroll=2)
            def _ek_body(q):
                rot = (viota + q) & 15
                evec = rot + (q & 48)
                for vl0 in range(0, BL, 16):
                    vlvec = viota + vl0
                    vals = plsc.load_gather(s_buf, [evec, vlvec])
                    wvec = vlvec >> 1
                    cvec = ((vlvec & 1) << 6) | evec
                    plsc.store_scatter(st_buf, [wvec, cvec], vals)

            pltpu.async_copy(
                stage_v.at[buf],
                out_hbm.at[pl.ds(vt * (BL // 2), D), :],
                wsem.at[buf],
            )

        return carry

    lax.fori_loop(0, A_ITERS, tile_body, 0)

    last_i = (VT - 1 - wid) // NW

    for k in range(2):
        li = last_i - k

        @pl.when(li >= 0)
        def _():
            pltpu.make_async_copy(
                stage_v.at[lax.rem(li, 2)],
                out_hbm.at[pl.ds((wid + li * NW) * (BL // 2), D), :],
                wsem.at[lax.rem(li, 2)],
            ).wait()


@functools.partial(
    pl.kernel,
    mesh=_mesh,
    compiler_params=pltpu.CompilerParams(
        use_tc_tiling_on_sc=False, needs_layout_passes=False
    ),
    out_type=jax.ShapeDtypeStruct((N_TOK, E8, NBC, 8, BL), jnp.float32),
    scratch_types=[
        pltpu.VMEM((2, TP, BL), jnp.int32),
        pltpu.VMEM((2, TP, BL, D), jnp.float32),
        pltpu.VMEM((2, TP, E8, 1, 8, BL), jnp.float32),
        pltpu.VMEM((N_TOK * D,), jnp.float32),
        pltpu.SemaphoreType.DMA((2,)),
        pltpu.SemaphoreType.DMA((2,)),
        pltpu.SemaphoreType.DMA((2,)),
    ],
)
def _emb_kernel(xp_hbm, table_hbm, pos_hbm, out_hbm, idx_v, rows_v, stage_v,
                pos_v, isem, gsem, wsem):
    bc = lax.axis_index("s") * NC + lax.axis_index("c")
    pltpu.sync_copy(pos_hbm, pos_v)
    viota = lax.iota(jnp.int32, 16)

    def idx_src(p):
        return xp_hbm.at[p // 4, bc, pl.ds((p % 4) * 2, TP)]

    def launch_gathers(sbuf):
        for j in range(TP):
            pltpu.async_copy(
                table_hbm.at[idx_v.at[sbuf, j]], rows_v.at[sbuf, j],
                gsem.at[sbuf],
            )

    pltpu.sync_copy(idx_src(0), idx_v.at[0])
    launch_gathers(0)
    pltpu.async_copy(idx_src(1), idx_v.at[1], isem.at[1])

    def pair_body(p, carry):
        buf = lax.rem(p, 2)
        nbuf = 1 - buf
        t = p * TP

        for j in range(TP):
            pltpu.make_async_copy(
                table_hbm.at[idx_v.at[buf, j]], rows_v.at[buf, j],
                gsem.at[buf],
            ).wait()

        @pl.when(p + 1 < NP)
        def _():
            pltpu.make_async_copy(
                idx_src(p + 1), idx_v.at[nbuf], isem.at[nbuf]
            ).wait()
            launch_gathers(nbuf)

        @pl.when(p + 2 < NP)
        def _():
            pltpu.async_copy(idx_src(p + 2), idx_v.at[buf], isem.at[buf])

        @pl.when(p >= 2)
        def _():
            pltpu.make_async_copy(
                stage_v.at[buf],
                out_hbm.at[pl.ds(t, TP), :, pl.ds(bc, 1)],
                wsem.at[buf],
            ).wait()

        @plsc.parallel_loop(0, TP * D, 1, unroll=2)
        def _ek_body(i):
            j = i >> 6
            ii = i & 63
            rot = (viota + ii) & 15
            e0 = ii & 48
            cvec = rot + e0
            e8vec = cvec >> 3
            esvec = cvec & 7
            p_vec = plsc.load_gather(pos_v, [rot + ((t + j) * D + e0)])
            rows_j = rows_v.at[buf, j]
            stage_j = stage_v.at[buf, j]
            for r0 in range(0, BL, 16):
                rvec = viota + r0
                vals = plsc.load_gather(rows_j, [rvec, cvec])
                plsc.store_scatter(
                    stage_j, [e8vec, jnp.zeros((16,), jnp.int32), esvec, rvec],
                    vals + p_vec,
                )

        pltpu.async_copy(
            stage_v.at[buf],
            out_hbm.at[pl.ds(t, TP), :, pl.ds(bc, 1)],
            wsem.at[buf],
        )
        return carry

    lax.fori_loop(0, NP, pair_body, 0)

    for k in range(2):
        pltpu.make_async_copy(
            stage_v.at[k],
            out_hbm.at[pl.ds((NP - 2 + k) * TP, TP), :, pl.ds(bc, 1)],
            wsem.at[k],
        ).wait()


def kernel(x, table, pos_embedding):
    xp = (
        x.astype(jnp.int32)
        .T.reshape(N_TOK // 8, 8, NBC, BL)
        .transpose((0, 2, 1, 3))
    )
    table2 = _fmt_kernel(table.T)
    tlin = table2.reshape(2 * VP_PAD, D)
    y = _emb_kernel(xp, tlin, pos_embedding.reshape(-1))
    return y.transpose((2, 4, 0, 1, 3)).reshape(B, N_TOK, D)

# --- scband reference (transcript-rebuilt; emitter-appended) ---
"""Pipeline reference for scband-clipembeds-27917287424398 (READ-ONLY COPY).

The authoritative reference and input builder live on the scoring server;
editing this copy changes nothing except your own understanding.
"""

import jax, jax.numpy as jnp
import numpy as np

VOCAB_SIZE = 1000000
EMB_DIM = 64
N_TOKENS = 200
BATCH = 4096


def setup_inputs(seed: int = 0) -> dict:
    key = jax.random.key(seed)
    k_x, k_tab, k_pos = jax.random.split(key, 3)
    x = jax.random.randint(k_x, (BATCH, N_TOKENS), 0, VOCAB_SIZE, dtype=jnp.int64 if jax.config.jax_enable_x64 else jnp.int32)
    table = jax.random.normal(k_tab, (VOCAB_SIZE, EMB_DIM), dtype=jnp.float32) * 0.02
    pos_embedding = jax.random.normal(k_pos, (N_TOKENS, EMB_DIM), dtype=jnp.float32) * 0.01
    return {"x": x, "table": table, "pos_embedding": pos_embedding}


def reference(x, table, pos_embedding):
    # nn.Embedding lookup -> gather rows of table
    emb = jnp.take(table, x, axis=0)  # [B, n_tokens, emb_dim]
    # x += self.pos_embedding (broadcast over batch)
    out = emb + pos_embedding[None, :, :]
    return out

if __name__ == "__main__":
    import jax
    _d = setup_inputs()
    print(jax.jit(kernel)(*tuple(_d.values())))

</pallas_src>

<mosaic_0001>
#map = affine_map<(d0, d1) -> (0, 0)>
module attributes {stable_mosaic.version = 14 : i64} {
  func.func @_fmt_kernel(%arg0: i32, %arg1: i32, %arg2: memref<64x1000000xf32, #tpu.memory_space<hbm>>, %arg3: memref<500032x128xf32, #tpu.memory_space<hbm>>, %arg4: memref<2x64x128xf32, #tpu.memory_space<vmem>>, %arg5: memref<2x64x128xf32, #tpu.memory_space<vmem>>, %arg6: memref<2x!tpu.dma_semaphore, #tpu.memory_space<semaphore_mem>>, %arg7: memref<2x!tpu.dma_semaphore, #tpu.memory_space<semaphore_mem>>) attributes {dimension_semantics = [#tpu.dimension_semantics<core_parallel>, #tpu.dimension_semantics<subcore_parallel>], iteration_bounds = array<i64: 2, 16>, scalar_prefetch = 0 : i64, scratch_operands = 4 : i64, tpu.core_type = #tpu.core_type<sc_vector_subcore>, window_params = [{transform_indices = #map}, {transform_indices = #map}]} {
    %mul3A = arith.constant 2 : i32
    %mul3A_0 = arith.muli %arg1, %mul3A : i32
    %add3A = arith.addi %mul3A_0, %arg0 : i32
    %iota3A = tpu.iota {dimensions = array<i32: 0>} : vector<16xi32>
    %le3A = arith.constant 7812 : i32
    %le3A_1 = arith.cmpi sle, %add3A, %le3A : i32
    %convert_element_type3A = arith.extui %le3A_1 : i1 to i32
    %cond3A = arith.constant 0 : i32
    %cond3A_2 = arith.cmpi ne, %convert_element_type3A, %cond3A : i32
    scf.if %cond3A_2 {
      %mul3A_39 = arith.constant 128 : i32
      %mul3A_40 = arith.muli %add3A, %mul3A_39 : i32
      %dma_start3A = arith.constant 0 : i32
      %dma_start3A_41 = arith.constant 0 : i32
      %dma_start3A_42 = arith.constant 0 : i32
      %dma_start3A_43 = arith.constant 0 : i32
      %dma_start3A_44 = tpu.memref_slice %arg4[%dma_start3A, %dma_start3A_42, %dma_start3A_43] : memref<2x64x128xf32, #tpu.memory_space<vmem>> -> memref<1x64x128xf32, #tpu.memory_space<vmem>>
      %dma_start3A_45 = tpu.memref_squeeze %dma_start3A_44 : memref<1x64x128xf32, #tpu.memory_space<vmem>> -> memref<64x128xf32, #tpu.memory_space<vmem>>
      %dma_start3A_46 = arith.constant 0 : i32
      %dma_start3A_47 = tpu.memref_slice %arg2[%dma_start3A_46, %mul3A_40] : memref<64x1000000xf32, #tpu.memory_space<hbm>> -> memref<64x128xf32, #tpu.memory_space<hbm>>
      %dma_start3A_48 = tpu.memref_slice %arg6[%dma_start3A_41] : memref<2x!tpu.dma_semaphore, #tpu.memory_space<semaphore_mem>> -> memref<1x!tpu.dma_semaphore, #tpu.memory_space<semaphore_mem>>
      %dma_start3A_49 = tpu.memref_squeeze %dma_start3A_48 : memref<1x!tpu.dma_semaphore, #tpu.memory_space<semaphore_mem>> -> memref<!tpu.dma_semaphore, #tpu.memory_space<semaphore_mem>>
      %dma_start3A_50 = arith.constant 0 : i32
      %dma_start3A_51 = arith.constant 0 : i32
      %dma_start3A_52 = tpu.memref_slice %arg4[%dma_start3A, %dma_start3A_50, %dma_start3A_51] : memref<2x64x128xf32, #tpu.memory_space<vmem>> -> memref<1x64x128xf32, #tpu.memory_space<vmem>>
      %dma_start3A_53 = tpu.memref_squeeze %dma_start3A_52 : memref<1x64x128xf32, #tpu.memory_space<vmem>> -> memref<64x128xf32, #tpu.memory_space<vmem>>
      %dma_start3A_54 = arith.constant 0 : i32
      %dma_start3A_55 = tpu.memref_slice %arg2[%dma_start3A_54, %mul3A_40] : memref<64x1000000xf32, #tpu.memory_space<hbm>> -> memref<64x128xf32, #tpu.memory_space<hbm>>
      tpu.enqueue_dma source(%dma_start3A_55 : memref<64x128xf32, #tpu.memory_space<hbm>>) target(%dma_start3A_53 : memref<64x128xf32, #tpu.memory_space<vmem>>) target_semaphore(%dma_start3A_49 : memref<!tpu.dma_semaphore, #tpu.memory_space<semaphore_mem>>)
    } else {
    }
    %scan3A = arith.constant 0 : i32
    %scan3A_3 = arith.constant 0 : i32
    %scan3A_4 = arith.constant 245 : i32
    %scan3A_5 = arith.addi %scan3A_3, %scan3A_4 : i32
    %scan3A_6 = arith.constant 1 : i32
    scf.for %scan3A_39 = %scan3A_3 to %scan3A_5 step %scan3A_6  : i32 {
      %mul3A_40 = arith.constant 32 : i32
      %mul3A_41 = arith.muli %scan3A_39, %mul3A_40 : i32
      %add3A_42 = arith.addi %add3A, %mul3A_41 : i32
      %rem3A_43 = arith.constant 2 : i32
      %rem3A_44 = arith.remsi %scan3A_39, %rem3A_43 : i32
      %sub3A_45 = arith.constant 1 : i32
      %sub3A_46 = arith.subi %sub3A_45, %rem3A_44 : i32
      %add3A_47 = arith.constant 1 : i32
      %add3A_48 = arith.addi %scan3A_39, %add3A_47 : i32
      %mul3A_49 = arith.constant 32 : i32
      %mul3A_50 = arith.muli %add3A_48, %mul3A_49 : i32
      %add3A_51 = arith.addi %add3A, %mul3A_50 : i32
      %le3A_52 = arith.constant 7812 : i32
      %le3A_53 = arith.cmpi sle, %add3A_51, %le3A_52 : i32
      %convert_element_type3A_54 = arith.extui %le3A_53 : i1 to i32
      %cond3A_55 = arith.constant 0 : i32
      %cond3A_56 = arith.cmpi ne, %convert_element_type3A_54, %cond3A_55 : i32
      scf.if %cond3A_56 {
        %mul3A_75 = arith.constant 128 : i32
        %mul3A_76 = arith.muli %add3A_51, %mul3A_75 : i32
        %dma_start3A = arith.constant 0 : i32
        %dma_start3A_77 = arith.constant 0 : i32
        %dma_start3A_78 = tpu.memref_slice %arg4[%sub3A_46, %dma_start3A, %dma_start3A_77] : memref<2x64x128xf32, #tpu.memory_space<vmem>> -> memref<1x64x128xf32, #tpu.memory_space<vmem>>
        %dma_start3A_79 = tpu.memref_squeeze %dma_start3A_78 : memref<1x64x128xf32, #tpu.memory_space<vmem>> -> memref<64x128xf32, #tpu.memory_space<vmem>>
        %dma_start3A_80 = arith.constant 0 : i32
        %dma_start3A_81 = tpu.memref_slice %arg2[%dma_start3A_80, %mul3A_76] : memref<64x1000000xf32, #tpu.memory_space<hbm>> -> memref<64x128xf32, #tpu.memory_space<hbm>>
        %dma_start3A_82 = tpu.memref_slice %arg6[%sub3A_46] : memref<2x!tpu.dma_semaphore, #tpu.memory_space<semaphore_mem>> -> memref<1x!tpu.dma_semaphore, #tpu.memory_space<semaphore_mem>>
        %dma_start3A_83 = tpu.memref_squeeze %dma_start3A_82 : memref<1x!tpu.dma_semaphore, #tpu.memory_space<semaphore_mem>> -> memref<!tpu.dma_semaphore, #tpu.memory_space<semaphore_mem>>
        %dma_start3A_84 = arith.constant 0 : i32
        %dma_start3A_85 = arith.constant 0 : i32
        %dma_start3A_86 = tpu.memref_slice %arg4[%sub3A_46, %dma_start3A_84, %dma_start3A_85] : memref<2x64x128xf32, #tpu.memory_space<vmem>> -> memref<1x64x128xf32, #tpu.memory_space<vmem>>
        %dma_start3A_87 = tpu.memref_squeeze %dma_start3A_86 : memref<1x64x128xf32, #tpu.memory_space<vmem>> -> memref<64x128xf32, #tpu.memory_space<vmem>>
        %dma_start3A_88 = arith.constant 0 : i32
        %dma_start3A_89 = tpu.memref_slice %arg2[%dma_start3A_88, %mul3A_76] : memref<64x1000000xf32, #tpu.memory_space<hbm>> -> memref<64x128xf32, #tpu.memory_space<hbm>>
        tpu.enqueue_dma source(%dma_start3A_89 : memref<64x128xf32, #tpu.memory_space<hbm>>) target(%dma_start3A_87 : memref<64x128xf32, #tpu.memory_space<vmem>>) target_semaphore(%dma_start3A_83 : memref<!tpu.dma_semaphore, #tpu.memory_space<semaphore_mem>>)
      } else {
      }
      %le3A_57 = arith.constant 7812 : i32
      %le3A_58 = arith.cmpi sle, %add3A_42, %le3A_57 : i32
      %convert_element_type3A_59 = arith.extui %le3A_58 : i1 to i32
      %cond3A_60 = arith.constant 0 : i32
      %cond3A_61 = arith.cmpi ne, %convert_element_type3A_59, %cond3A_60 : i32
      scf.if %cond3A_61 {
        %mul3A_75 = arith.constant 128 : i32
        %mul3A_76 = arith.muli %add3A_42, %mul3A_75 : i32
        %dma_wait3A = arith.constant 0 : i32
        %dma_wait3A_77 = arith.constant 0 : i32
        %dma_wait3A_78 = tpu.memref_slice %arg4[%rem3A_44, %dma_wait3A, %dma_wait3A_77] : memref<2x64x128xf32, #tpu.memory_space<vmem>> -> memref<1x64x128xf32, #tpu.memory_space<vmem>>
        %dma_wait3A_79 = tpu.memref_squeeze %dma_wait3A_78 : memref<1x64x128xf32, #tpu.memory_space<vmem>> -> memref<64x128xf32, #tpu.memory_space<vmem>>
        %dma_wait3A_80 = arith.constant 0 : i32
        %dma_wait3A_81 = tpu.memref_slice %arg2[%dma_wait3A_80, %mul3A_76] : memref<64x1000000xf32, #tpu.memory_space<hbm>> -> memref<64x128xf32, #tpu.memory_space<hbm>>
        %dma_wait3A_82 = tpu.memref_slice %arg6[%rem3A_44] : memref<2x!tpu.dma_semaphore, #tpu.memory_space<semaphore_mem>> -> memref<1x!tpu.dma_semaphore, #tpu.memory_space<semaphore_mem>>
        %dma_wait3A_83 = tpu.memref_squeeze %dma_wait3A_82 : memref<1x!tpu.dma_semaphore, #tpu.memory_space<semaphore_mem>> -> memref<!tpu.dma_semaphore, #tpu.memory_space<semaphore_mem>>
        %dma_wait3A_84 = arith.constant 0 : i32
        %dma_wait3A_85 = arith.constant 0 : i32
        %dma_wait3A_86 = tpu.memref_slice %arg4[%rem3A_44, %dma_wait3A_84, %dma_wait3A_85] : memref<2x64x128xf32, #tpu.memory_space<vmem>> -> memref<1x64x128xf32, #tpu.memory_space<vmem>>
        %dma_wait3A_87 = tpu.memref_squeeze %dma_wait3A_86 : memref<1x64x128xf32, #tpu.memory_space<vmem>> -> memref<64x128xf32, #tpu.memory_space<vmem>>
        %dma_wait3A_88 = arith.constant 0 : i32
        %dma_wait3A_89 = tpu.memref_slice %arg2[%dma_wait3A_88, %mul3A_76] : memref<64x1000000xf32, #tpu.memory_space<hbm>> -> memref<64x128xf32, #tpu.memory_space<hbm>>
        tpu.wait_dma2 semaphore(%dma_wait3A_83 : memref<!tpu.dma_semaphore, #tpu.memory_space<semaphore_mem>>) src(%dma_wait3A_89 : memref<64x128xf32, #tpu.memory_space<hbm>>) dst(%dma_wait3A_87 : memref<64x128xf32, #tpu.memory_space<vmem>>)
      } else {
      }
      %le3A_62 = arith.constant 7812 : i32
      %le3A_63 = arith.cmpi sle, %add3A_42, %le3A_62 : i32
      %ge3A_64 = arith.constant 2 : i32
      %ge3A_65 = arith.cmpi sge, %scan3A_39, %ge3A_64 : i32
      %and3A_66 = arith.andi %le3A_63, %ge3A_65 : i1
      %convert_element_type3A_67 = arith.extui %and3A_66 : i1 to i32
      %cond3A_68 = arith.constant 0 : i32
      %cond3A_69 = arith.cmpi ne, %convert_element_type3A_67, %cond3A_68 : i32
      scf.if %cond3A_69 {
        %mul3A_75 = arith.constant 64 : i32
        %mul3A_76 = arith.muli %add3A_42, %mul3A_75 : i32
        %dma_wait3A = arith.constant 0 : i32
        %dma_wait3A_77 = arith.constant 0 : i32
        %dma_wait3A_78 = tpu.memref_slice %arg5[%rem3A_44, %dma_wait3A, %dma_wait3A_77] : memref<2x64x128xf32, #tpu.memory_space<vmem>> -> memref<1x64x128xf32, #tpu.memory_space<vmem>>
        %dma_wait3A_79 = tpu.memref_squeeze %dma_wait3A_78 : memref<1x64x128xf32, #tpu.memory_space<vmem>> -> memref<64x128xf32, #tpu.memory_space<vmem>>
        %dma_wait3A_80 = arith.constant 0 : i32
        %dma_wait3A_81 = tpu.memref_slice %arg3[%mul3A_76, %dma_wait3A_80] : memref<500032x128xf32, #tpu.memory_space<hbm>> -> memref<64x128xf32, #tpu.memory_space<hbm>>
        %dma_wait3A_82 = tpu.memref_slice %arg7[%rem3A_44] : memref<2x!tpu.dma_semaphore, #tpu.memory_space<semaphore_mem>> -> memref<1x!tpu.dma_semaphore, #tpu.memory_space<semaphore_mem>>
        %dma_wait3A_83 = tpu.memref_squeeze %dma_wait3A_82 : memref<1x!tpu.dma_semaphore, #tpu.memory_space<semaphore_mem>> -> memref<!tpu.dma_semaphore, #tpu.memory_space<semaphore_mem>>
        %dma_wait3A_84 = arith.constant 0 : i32
        %dma_wait3A_85 = tpu.memref_slice %arg3[%mul3A_76, %dma_wait3A_84] : memref<500032x128xf32, #tpu.memory_space<hbm>> -> memref<64x128xf32, #tpu.memory_space<hbm>>
        %dma_wait3A_86 = arith.constant 0 : i32
        %dma_wait3A_87 = arith.constant 0 : i32
        %dma_wait3A_88 = tpu.memref_slice %arg5[%rem3A_44, %dma_wait3A_86, %dma_wait3A_87] : memref<2x64x128xf32, #tpu.memory_space<vmem>> -> memref<1x64x128xf32, #tpu.memory_space<vmem>>
        %dma_wait3A_89 = tpu.memref_squeeze %dma_wait3A_88 : memref<1x64x128xf32, #tpu.memory_space<vmem>> -> memref<64x128xf32, #tpu.memory_space<vmem>>
        tpu.wait_dma2 semaphore(%dma_wait3A_83 : memref<!tpu.dma_semaphore, #tpu.memory_space<semaphore_mem>>) src(%dma_wait3A_89 : memref<64x128xf32, #tpu.memory_space<vmem>>) dst(%dma_wait3A_85 : memref<64x128xf32, #tpu.memory_space<hbm>>)
      } else {
      }
      %le3A_70 = arith.constant 7812 : i32
      %le3A_71 = arith.cmpi sle, %add3A_42, %le3A_70 : i32
      %convert_element_type3A_72 = arith.extui %le3A_71 : i1 to i32
      %cond3A_73 = arith.constant 0 : i32
      %cond3A_74 = arith.cmpi ne, %convert_element_type3A_72, %cond3A_73 : i32
      scf.if %cond3A_74 {
        %parallel_loop3A = arith.constant 0 : i32
        %parallel_loop3A_75 = arith.constant 64 : i32
        %parallel_loop3A_76 = arith.constant 1 : i32
        scf.for %parallel_loop3A_92 = %parallel_loop3A to %parallel_loop3A_75 step %parallel_loop3A_76  : i32 {
          %parallel_loop3A_93 = vector.broadcast %parallel_loop3A_92 : i32 to vector<16xi32>
          %parallel_loop3A_94 = arith.addi %iota3A, %parallel_loop3A_93 : vector<16xi32>
          %parallel_loop3A_95 = arith.constant 15 : i32
          %parallel_loop3A_96 = vector.broadcast %parallel_loop3A_95 : i32 to vector<16xi32>
          %parallel_loop3A_97 = arith.andi %parallel_loop3A_94, %parallel_loop3A_96 : vector<16xi32>
          %parallel_loop3A_98 = arith.constant 48 : i32
          %parallel_loop3A_99 = arith.andi %parallel_loop3A_92, %parallel_loop3A_98 : i32
          %parallel_loop3A_100 = vector.broadcast %parallel_loop3A_99 : i32 to vector<16xi32>
          %parallel_loop3A_101 = arith.addi %parallel_loop3A_97, %parallel_loop3A_100 : vector<16xi32>
          %parallel_loop3A_102 = arith.constant 0 : i32
          %parallel_loop3A_103 = vector.broadcast %parallel_loop3A_102 : i32 to vector<16xi32>
          %parallel_loop3A_104 = arith.addi %iota3A, %parallel_loop3A_103 : vector<16xi32>
          %parallel_loop3A_105 = arith.constant 0 : i32
          %parallel_loop3A_106 = arith.constant 0 : i32
          %parallel_loop3A_107 = tpu.memref_slice %arg4[%rem3A_44, %parallel_loop3A_105, %parallel_loop3A_106] : memref<2x64x128xf32, #tpu.memory_space<vmem>> -> memref<1x64x128xf32, #tpu.memory_space<vmem>>
          %parallel_loop3A_108 = tpu.memref_squeeze %parallel_loop3A_107 : memref<1x64x128xf32, #tpu.memory_space<vmem>> -> memref<64x128xf32, #tpu.memory_space<vmem>>
          %parallel_loop3A_109 = tpu.vector_load_idx %parallel_loop3A_108[%parallel_loop3A_101, %parallel_loop3A_104] : memref<64x128xf32, #tpu.memory_space<vmem>>[vector<16xi32>, vector<16xi32>], vector<16xf32>,
          %parallel_loop3A_110 = arith.constant 1 : i32
          %parallel_loop3A_111 = vector.broadcast %parallel_loop3A_110 : i32 to vector<16xi32>
          %parallel_loop3A_112 = arith.shrsi %parallel_loop3A_104, %parallel_loop3A_111 : vector<16xi32>
          %parallel_loop3A_113 = arith.constant 1 : i32
          %parallel_loop3A_114 = vector.broadcast %parallel_loop3A_113 : i32 to vector<16xi32>
          %parallel_loop3A_115 = arith.andi %parallel_loop3A_104, %parallel_loop3A_114 : vector<16xi32>
          %parallel_loop3A_116 = arith.constant 6 : i32
          %parallel_loop3A_117 = vector.broadcast %parallel_loop3A_116 : i32 to vector<16xi32>
          %parallel_loop3A_118 = arith.shli %parallel_loop3A_115, %parallel_loop3A_117 : vector<16xi32>
          %parallel_loop3A_119 = arith.ori %parallel_loop3A_118, %parallel_loop3A_101 : vector<16xi32>
          %parallel_loop3A_120 = arith.constant 0 : i32
          %parallel_loop3A_121 = arith.constant 0 : i32
          %parallel_loop3A_122 = tpu.memref_slice %arg5[%rem3A_44, %parallel_loop3A_120, %parallel_loop3A_121] : memref<2x64x128xf32, #tpu.memory_space<vmem>> -> memref<1x64x128xf32, #tpu.memory_space<vmem>>
          %parallel_loop3A_123 = tpu.memref_squeeze %parallel_loop3A_122 : memref<1x64x128xf32, #tpu.memory_space<vmem>> -> memref<64x128xf32, #tpu.memory_space<vmem>>
          tpu.vector_store_idx %parallel_loop3A_123[%parallel_loop3A_112, %parallel_loop3A_119], %parallel_loop3A_109 : memref<64x128xf32, #tpu.memory_space<vmem>>[vector<16xi32>, vector<16xi32>], vector<16xf32>,
          %parallel_loop3A_124 = arith.constant 16 : i32
          %parallel_loop3A_125 = vector.broadcast %parallel_loop3A_124 : i32 to vector<16xi32>
          %parallel_loop3A_126 = arith.addi %iota3A, %parallel_loop3A_125 : vector<16xi32>
          %parallel_loop3A_127 = arith.constant 0 : i32
          %parallel_loop3A_128 = arith.constant 0 : i32
          %parallel_loop3A_129 = tpu.memref_slice %arg4[%rem3A_44, %parallel_loop3A_127, %parallel_loop3A_128] : memref<2x64x128xf32, #tpu.memory_space<vmem>> -> memref<1x64x128xf32, #tpu.memory_space<vmem>>
          %parallel_loop3A_130 = tpu.memref_squeeze %parallel_loop3A_129 : memref<1x64x128xf32, #tpu.memory_space<vmem>> -> memref<64x128xf32, #tpu.memory_space<vmem>>
          %parallel_loop3A_131 = tpu.vector_load_idx %parallel_loop3A_130[%parallel_loop3A_101, %parallel_loop3A_126] : memref<64x128xf32, #tpu.memory_space<vmem>>[vector<16xi32>, vector<16xi32>], vector<16xf32>,
          %parallel_loop3A_132 = arith.constant 1 : i32
          %parallel_loop3A_133 = vector.broadcast %parallel_loop3A_132 : i32 to vector<16xi32>
          %parallel_loop3A_134 = arith.shrsi %parallel_loop3A_126, %parallel_loop3A_133 : vector<16xi32>
          %parallel_loop3A_135 = arith.constant 1 : i32
          %parallel_loop3A_136 = vector.broadcast %parallel_loop3A_135 : i32 to vector<16xi32>
          %parallel_loop3A_137 = arith.andi %parallel_loop3A_126, %parallel_loop3A_136 : vector<16xi32>
          %parallel_loop3A_138 = arith.constant 6 : i32
          %parallel_loop3A_139 = vector.broadcast %parallel_loop3A_138 : i32 to vector<16xi32>
          %parallel_loop3A_140 = arith.shli %parallel_loop3A_137, %parallel_loop3A_139 : vector<16xi32>
          %parallel_loop3A_141 = arith.ori %parallel_loop3A_140, %parallel_loop3A_101 : vector<16xi32>
          %parallel_loop3A_142 = arith.constant 0 : i32
          %parallel_loop3A_143 = arith.constant 0 : i32
          %parallel_loop3A_144 = tpu.memref_slice %arg5[%rem3A_44, %parallel_loop3A_142, %parallel_loop3A_143] : memref<2x64x128xf32, #tpu.memory_space<vmem>> -> memref<1x64x128xf32, #tpu.memory_space<vmem>>
          %parallel_loop3A_145 = tpu.memref_squeeze %parallel_loop3A_144 : memref<1x64x128xf32, #tpu.memory_space<vmem>> -> memref<64x128xf32, #tpu.memory_space<vmem>>
          tpu.vector_store_idx %parallel_loop3A_145[%parallel_loop3A_134, %parallel_loop3A_141], %parallel_loop3A_131 : memref<64x128xf32, #tpu.memory_space<vmem>>[vector<16xi32>, vector<16xi32>], vector<16xf32>,
          %parallel_loop3A_146 = arith.constant 32 : i32
          %parallel_loop3A_147 = vector.broadcast %parallel_loop3A_146 : i32 to vector<16xi32>
          %parallel_loop3A_148 = arith.addi %iota3A, %parallel_loop3A_147 : vector<16xi32>
          %parallel_loop3A_149 = arith.constant 0 : i32
          %parallel_loop3A_150 = arith.constant 0 : i32
          %parallel_loop3A_151 = tpu.memref_slice %arg4[%rem3A_44, %parallel_loop3A_149, %parallel_loop3A_150] : memref<2x64x128xf32, #tpu.memory_space<vmem>> -> memref<1x64x128xf32, #tpu.memory_space<vmem>>
          %parallel_loop3A_152 = tpu.memref_squeeze %parallel_loop3A_151 : memref<1x64x128xf32, #tpu.memory_space<vmem>> -> memref<64x128xf32, #tpu.memory_space<vmem>>
          %parallel_loop3A_153 = tpu.vector_load_idx %parallel_loop3A_152[%parallel_loop3A_101, %parallel_loop3A_148] : memref<64x128xf32, #tpu.memory_space<vmem>>[vector<16xi32>, vector<16xi32>], vector<16xf32>,
          %parallel_loop3A_154 = arith.constant 1 : i32
          %parallel_loop3A_155 = vector.broadcast %parallel_loop3A_154 : i32 to vector<16xi32>
          %parallel_loop3A_156 = arith.shrsi %parallel_loop3A_148, %parallel_loop3A_155 : vector<16xi32>
          %parallel_loop3A_157 = arith.constant 1 : i32
          %parallel_loop3A_158 = vector.broadcast %parallel_loop3A_157 : i32 to vector<16xi32>
          %parallel_loop3A_159 = arith.andi %parallel_loop3A_148, %parallel_loop3A_158 : vector<16xi32>
          %parallel_loop3A_160 = arith.constant 6 : i32
          %parallel_loop3A_161 = vector.broadcast %parallel_loop3A_160 : i32 to vector<16xi32>
          %parallel_loop3A_162 = arith.shli %parallel_loop3A_159, %parallel_loop3A_161 : vector<16xi32>
          %parallel_loop3A_163 = arith.ori %parallel_loop3A_162, %parallel_loop3A_101 : vector<16xi32>
          %parallel_loop3A_164 = arith.constant 0 : i32
          %parallel_loop3A_165 = arith.constant 0 : i32
          %parallel_loop3A_166 = tpu.memref_slice %arg5[%rem3A_44, %parallel_loop3A_164, %parallel_loop3A_165] : memref<2x64x128xf32, #tpu.memory_space<vmem>> -> memref<1x64x128xf32, #tpu.memory_space<vmem>>
          %parallel_loop3A_167 = tpu.memref_squeeze %parallel_loop3A_166 : memref<1x64x128xf32, #tpu.memory_space<vmem>> -> memref<64x128xf32, #tpu.memory_space<vmem>>
          tpu.vector_store_idx %parallel_loop3A_167[%parallel_loop3A_156, %parallel_loop3A_163], %parallel_loop3A_153 : memref<64x128xf32, #tpu.memory_space<vmem>>[vector<16xi32>, vector<16xi32>], vector<16xf32>,
          %parallel_loop3A_168 = arith.constant 48 : i32
          %parallel_loop3A_169 = vector.broadcast %parallel_loop3A_168 : i32 to vector<16xi32>
          %parallel_loop3A_170 = arith.addi %iota3A, %parallel_loop3A_169 : vector<16xi32>
          %parallel_loop3A_171 = arith.constant 0 : i32
          %parallel_loop3A_172 = arith.constant 0 : i32
          %parallel_loop3A_173 = tpu.memref_slice %arg4[%rem3A_44, %parallel_loop3A_171, %parallel_loop3A_172] : memref<2x64x128xf32, #tpu.memory_space<vmem>> -> memref<1x64x128xf32, #tpu.memory_space<vmem>>
          %parallel_loop3A_174 = tpu.memref_squeeze %parallel_loop3A_173 : memref<1x64x128xf32, #tpu.memory_space<vmem>> -> memref<64x128xf32, #tpu.memory_space<vmem>>
          %parallel_loop3A_175 = tpu.vector_load_idx %parallel_loop3A_174[%parallel_loop3A_101, %parallel_loop3A_170] : memref<64x128xf32, #tpu.memory_space<vmem>>[vector<16xi32>, vector<16xi32>], vector<16xf32>,
          %parallel_loop3A_176 = arith.constant 1 : i32
          %parallel_loop3A_177 = vector.broadcast %parallel_loop3A_176 : i32 to vector<16xi32>
          %parallel_loop3A_178 = arith.shrsi %parallel_loop3A_170, %parallel_loop3A_177 : vector<16xi32>
          %parallel_loop3A_179 = arith.constant 1 : i32
          %parallel_loop3A_180 = vector.broadcast %parallel_loop3A_179 : i32 to vector<16xi32>
          %parallel_loop3A_181 = arith.andi %parallel_loop3A_170, %parallel_loop3A_180 : vector<16xi32>
          %parallel_loop3A_182 = arith.constant 6 : i32
          %parallel_loop3A_183 = vector.broadcast %parallel_loop3A_182 : i32 to vector<16xi32>
          %parallel_loop3A_184 = arith.shli %parallel_loop3A_181, %parallel_loop3A_183 : vector<16xi32>
          %parallel_loop3A_185 = arith.ori %parallel_loop3A_184, %parallel_loop3A_101 : vector<16xi32>
          %parallel_loop3A_186 = arith.constant 0 : i32
          %parallel_loop3A_187 = arith.constant 0 : i32
          %parallel_loop3A_188 = tpu.memref_slice %arg5[%rem3A_44, %parallel_loop3A_186, %parallel_loop3A_187] : memref<2x64x128xf32, #tpu.memory_space<vmem>> -> memref<1x64x128xf32, #tpu.memory_space<vmem>>
          %parallel_loop3A_189 = tpu.memref_squeeze %parallel_loop3A_188 : memref<1x64x128xf32, #tpu.memory_space<vmem>> -> memref<64x128xf32, #tpu.memory_space<vmem>>
          tpu.vector_store_idx %parallel_loop3A_189[%parallel_loop3A_178, %parallel_loop3A_185], %parallel_loop3A_175 : memref<64x128xf32, #tpu.memory_space<vmem>>[vector<16xi32>, vector<16xi32>], vector<16xf32>,
          %parallel_loop3A_190 = arith.constant 64 : i32
          %parallel_loop3A_191 = vector.broadcast %parallel_loop3A_190 : i32 to vector<16xi32>
          %parallel_loop3A_192 = arith.addi %iota3A, %parallel_loop3A_191 : vector<16xi32>
          %parallel_loop3A_193 = arith.constant 0 : i32
          %parallel_loop3A_194 = arith.constant 0 : i32
          %parallel_loop3A_195 = tpu.memref_slice %arg4[%rem3A_44, %parallel_loop3A_193, %parallel_loop3A_194] : memref<2x64x128xf32, #tpu.memory_space<vmem>> -> memref<1x64x128xf32, #tpu.memory_space<vmem>>
          %parallel_loop3A_196 = tpu.memref_squeeze %parallel_loop3A_195 : memref<1x64x128xf32, #tpu.memory_space<vmem>> -> memref<64x128xf32, #tpu.memory_space<vmem>>
          %parallel_loop3A_197 = tpu.vector_load_idx %parallel_loop3A_196[%parallel_loop3A_101, %parallel_loop3A_192] : memref<64x128xf32, #tpu.memory_space<vmem>>[vector<16xi32>, vector<16xi32>], vector<16xf32>,
          %parallel_loop3A_198 = arith.constant 1 : i32
          %parallel_loop3A_199 = vector.broadcast %parallel_loop3A_198 : i32 to vector<16xi32>
          %parallel_loop3A_200 = arith.shrsi %parallel_loop3A_192, %parallel_loop3A_199 : vector<16xi32>
          %parallel_loop3A_201 = arith.constant 1 : i32
          %parallel_loop3A_202 = vector.broadcast %parallel_loop3A_201 : i32 to vector<16xi32>
          %parallel_loop3A_203 = arith.andi %parallel_loop3A_192, %parallel_loop3A_202 : vector<16xi32>
          %parallel_loop3A_204 = arith.constant 6 : i32
          %parallel_loop3A_205 = vector.broadcast %parallel_loop3A_204 : i32 to vector<16xi32>
          %parallel_loop3A_206 = arith.shli %parallel_loop3A_203, %parallel_loop3A_205 : vector<16xi32>
          %parallel_loop3A_207 = arith.ori %parallel_loop3A_206, %parallel_loop3A_101 : vector<16xi32>
          %parallel_loop3A_208 = arith.constant 0 : i32
          %parallel_loop3A_209 = arith.constant 0 : i32
          %parallel_loop3A_210 = tpu.memref_slice %arg5[%rem3A_44, %parallel_loop3A_208, %parallel_loop3A_209] : memref<2x64x128xf32, #tpu.memory_space<vmem>> -> memref<1x64x128xf32, #tpu.memory_space<vmem>>
          %parallel_loop3A_211 = tpu.memref_squeeze %parallel_loop3A_210 : memref<1x64x128xf32, #tpu.memory_space<vmem>> -> memref<64x128xf32, #tpu.memory_space<vmem>>
          tpu.vector_store_idx %parallel_loop3A_211[%parallel_loop3A_200, %parallel_loop3A_207], %parallel_loop3A_197 : memref<64x128xf32, #tpu.memory_space<vmem>>[vector<16xi32>, vector<16xi32>], vector<16xf32>,
          %parallel_loop3A_212 = arith.constant 80 : i32
          %parallel_loop3A_213 = vector.broadcast %parallel_loop3A_212 : i32 to vector<16xi32>
          %parallel_loop3A_214 = arith.addi %iota3A, %parallel_loop3A_213 : vector<16xi32>
          %parallel_loop3A_215 = arith.constant 0 : i32
          %parallel_loop3A_216 = arith.constant 0 : i32
          %parallel_loop3A_217 = tpu.memref_slice %arg4[%rem3A_44, %parallel_loop3A_215, %parallel_loop3A_216] : memref<2x64x128xf32, #tpu.memory_space<vmem>> -> memref<1x64x128xf32, #tpu.memory_space<vmem>>
          %parallel_loop3A_218 = tpu.memref_squeeze %parallel_loop3A_217 : memref<1x64x128xf32, #tpu.memory_space<vmem>> -> memref<64x128xf32, #tpu.memory_space<vmem>>
          %parallel_loop3A_219 = tpu.vector_load_idx %parallel_loop3A_218[%parallel_loop3A_101, %parallel_loop3A_214] : memref<64x128xf32, #tpu.memory_space<vmem>>[vector<16xi32>, vector<16xi32>], vector<16xf32>,
          %parallel_loop3A_220 = arith.constant 1 : i32
          %parallel_loop3A_221 = vector.broadcast %parallel_loop3A_220 : i32 to vector<16xi32>
          %parallel_loop3A_222 = arith.shrsi %parallel_loop3A_214, %parallel_loop3A_221 : vector<16xi32>
          %parallel_loop3A_223 = arith.constant 1 : i32
          %parallel_loop3A_224 = vector.broadcast %parallel_loop3A_223 : i32 to vector<16xi32>
          %parallel_loop3A_225 = arith.andi %parallel_loop3A_214, %parallel_loop3A_224 : vector<16xi32>
          %parallel_loop3A_226 = arith.constant 6 : i32
          %parallel_loop3A_227 = vector.broadcast %parallel_loop3A_226 : i32 to vector<16xi32>
          %parallel_loop3A_228 = arith.shli %parallel_loop3A_225, %parallel_loop3A_227 : vector<16xi32>
          %parallel_loop3A_229 = arith.ori %parallel_loop3A_228, %parallel_loop3A_101 : vector<16xi32>
          %parallel_loop3A_230 = arith.constant 0 : i32
          %parallel_loop3A_231 = arith.constant 0 : i32
          %parallel_loop3A_232 = tpu.memref_slice %arg5[%rem3A_44, %parallel_loop3A_230, %parallel_loop3A_231] : memref<2x64x128xf32, #tpu.memory_space<vmem>> -> memref<1x64x128xf32, #tpu.memory_space<vmem>>
          %parallel_loop3A_233 = tpu.memref_squeeze %parallel_loop3A_232 : memref<1x64x128xf32, #tpu.memory_space<vmem>> -> memref<64x128xf32, #tpu.memory_space<vmem>>
          tpu.vector_store_idx %parallel_loop3A_233[%parallel_loop3A_222, %parallel_loop3A_229], %parallel_loop3A_219 : memref<64x128xf32, #tpu.memory_space<vmem>>[vector<16xi32>, vector<16xi32>], vector<16xf32>,
          %parallel_loop3A_234 = arith.constant 96 : i32
          %parallel_loop3A_235 = vector.broadcast %parallel_loop3A_234 : i32 to vector<16xi32>
          %parallel_loop3A_236 = arith.addi %iota3A, %parallel_loop3A_235 : vector<16xi32>
          %parallel_loop3A_237 = arith.constant 0 : i32
          %parallel_loop3A_238 = arith.constant 0 : i32
          %parallel_loop3A_239 = tpu.memref_slice %arg4[%rem3A_44, %parallel_loop3A_237, %parallel_loop3A_238] : memref<2x64x128xf32, #tpu.memory_space<vmem>> -> memref<1x64x128xf32, #tpu.memory_space<vmem>>
          %parallel_loop3A_240 = tpu.memref_squeeze %parallel_loop3A_239 : memref<1x64x128xf32, #tpu.memory_space<vmem>> -> memref<64x128xf32, #tpu.memory_space<vmem>>
          %parallel_loop3A_241 = tpu.vector_load_idx %parallel_loop3A_240[%parallel_loop3A_101, %parallel_loop3A_236] : memref<64x128xf32, #tpu.memory_space<vmem>>[vector<16xi32>, vector<16xi32>], vector<16xf32>,
          %parallel_loop3A_242 = arith.constant 1 : i32
          %parallel_loop3A_243 = vector.broadcast %parallel_loop3A_242 : i32 to vector<16xi32>
          %parallel_loop3A_244 = arith.shrsi %parallel_loop3A_236, %parallel_loop3A_243 : vector<16xi32>
          %parallel_loop3A_245 = arith.constant 1 : i32
          %parallel_loop3A_246 = vector.broadcast %parallel_loop3A_245 : i32 to vector<16xi32>
          %parallel_loop3A_247 = arith.andi %parallel_loop3A_236, %parallel_loop3A_246 : vector<16xi32>
          %parallel_loop3A_248 = arith.constant 6 : i32
          %parallel_loop3A_249 = vector.broadcast %parallel_loop3A_248 : i32 to vector<16xi32>
          %parallel_loop3A_250 = arith.shli %parallel_loop3A_247, %parallel_loop3A_249 : vector<16xi32>
          %parallel_loop3A_251 = arith.ori %parallel_loop3A_250, %parallel_loop3A_101 : vector<16xi32>
          %parallel_loop3A_252 = arith.constant 0 : i32
          %parallel_loop3A_253 = arith.constant 0 : i32
          %parallel_loop3A_254 = tpu.memref_slice %arg5[%rem3A_44, %parallel_loop3A_252, %parallel_loop3A_253] : memref<2x64x128xf32, #tpu.memory_space<vmem>> -> memref<1x64x128xf32, #tpu.memory_space<vmem>>
          %parallel_loop3A_255 = tpu.memref_squeeze %parallel_loop3A_254 : memref<1x64x128xf32, #tpu.memory_space<vmem>> -> memref<64x128xf32, #tpu.memory_space<vmem>>
          tpu.vector_store_idx %parallel_loop3A_255[%parallel_loop3A_244, %parallel_loop3A_251], %parallel_loop3A_241 : memref<64x128xf32, #tpu.memory_space<vmem>>[vector<16xi32>, vector<16xi32>], vector<16xf32>,
          %parallel_loop3A_256 = arith.constant 112 : i32
          %parallel_loop3A_257 = vector.broadcast %parallel_loop3A_256 : i32 to vector<16xi32>
          %parallel_loop3A_258 = arith.addi %iota3A, %parallel_loop3A_257 : vector<16xi32>
          %parallel_loop3A_259 = arith.constant 0 : i32
          %parallel_loop3A_260 = arith.constant 0 : i32
          %parallel_loop3A_261 = tpu.memref_slice %arg4[%rem3A_44, %parallel_loop3A_259, %parallel_loop3A_260] : memref<2x64x128xf32, #tpu.memory_space<vmem>> -> memref<1x64x128xf32, #tpu.memory_space<vmem>>
          %parallel_loop3A_262 = tpu.memref_squeeze %parallel_loop3A_261 : memref<1x64x128xf32, #tpu.memory_space<vmem>> -> memref<64x128xf32, #tpu.memory_space<vmem>>
          %parallel_loop3A_263 = tpu.vector_load_idx %parallel_loop3A_262[%parallel_loop3A_101, %parallel_loop3A_258] : memref<64x128xf32, #tpu.memory_space<vmem>>[vector<16xi32>, vector<16xi32>], vector<16xf32>,
          %parallel_loop3A_264 = arith.constant 1 : i32
          %parallel_loop3A_265 = vector.broadcast %parallel_loop3A_264 : i32 to vector<16xi32>
          %parallel_loop3A_266 = arith.shrsi %parallel_loop3A_258, %parallel_loop3A_265 : vector<16xi32>
          %parallel_loop3A_267 = arith.constant 1 : i32
          %parallel_loop3A_268 = vector.broadcast %parallel_loop3A_267 : i32 to vector<16xi32>
          %parallel_loop3A_269 = arith.andi %parallel_loop3A_258, %parallel_loop3A_268 : vector<16xi32>
          %parallel_loop3A_270 = arith.constant 6 : i32
          %parallel_loop3A_271 = vector.broadcast %parallel_loop3A_270 : i32 to vector<16xi32>
          %parallel_loop3A_272 = arith.shli %parallel_loop3A_269, %parallel_loop3A_271 : vector<16xi32>
          %parallel_loop3A_273 = arith.ori %parallel_loop3A_272, %parallel_loop3A_101 : vector<16xi32>
          %parallel_loop3A_274 = arith.constant 0 : i32
          %parallel_loop3A_275 = arith.constant 0 : i32
          %parallel_loop3A_276 = tpu.memref_slice %arg5[%rem3A_44, %parallel_loop3A_274, %parallel_loop3A_275] : memref<2x64x128xf32, #tpu.memory_space<vmem>> -> memref<1x64x128xf32, #tpu.memory_space<vmem>>
          %parallel_loop3A_277 = tpu.memref_squeeze %parallel_loop3A_276 : memref<1x64x128xf32, #tpu.memory_space<vmem>> -> memref<64x128xf32, #tpu.memory_space<vmem>>
          tpu.vector_store_idx %parallel_loop3A_277[%parallel_loop3A_266, %parallel_loop3A_273], %parallel_loop3A_263 : memref<64x128xf32, #tpu.memory_space<vmem>>[vector<16xi32>, vector<16xi32>], vector<16xf32>,
        } {sc.loop_unroll_factor = 2 : i64, sc.parallel_access}
        %mul3A_77 = arith.constant 64 : i32
        %mul3A_78 = arith.muli %add3A_42, %mul3A_77 : i32
        %dma_start3A = arith.constant 0 : i32
        %dma_start3A_79 = arith.constant 0 : i32
        %dma_start3A_80 = tpu.memref_slice %arg5[%rem3A_44, %dma_start3A, %dma_start3A_79] : memref<2x64x128xf32, #tpu.memory_space<vmem>> -> memref<1x64x128xf32, #tpu.memory_space<vmem>>
        %dma_start3A_81 = tpu.memref_squeeze %dma_start3A_80 : memref<1x64x128xf32, #tpu.memory_space<vmem>> -> memref<64x128xf32, #tpu.memory_space<vmem>>
        %dma_start3A_82 = arith.constant 0 : i32
        %dma_start3A_83 = tpu.memref_slice %arg3[%mul3A_78, %dma_start3A_82] : memref<500032x128xf32, #tpu.memory_space<hbm>> -> memref<64x128xf32, #tpu.memory_space<hbm>>
        %dma_start3A_84 = tpu.memref_slice %arg7[%rem3A_44] : memref<2x!tpu.dma_semaphore, #tpu.memory_space<semaphore_mem>> -> memref<1x!tpu.dma_semaphore, #tpu.memory_space<semaphore_mem>>
        %dma_start3A_85 = tpu.memref_squeeze %dma_start3A_84 : memref<1x!tpu.dma_semaphore, #tpu.memory_space<semaphore_mem>> -> memref<!tpu.dma_semaphore, #tpu.memory_space<semaphore_mem>>
        %dma_start3A_86 = arith.constant 0 : i32
        %dma_start3A_87 = tpu.memref_slice %arg3[%mul3A_78, %dma_start3A_86] : memref<500032x128xf32, #tpu.memory_space<hbm>> -> memref<64x128xf32, #tpu.memory_space<hbm>>
        %dma_start3A_88 = arith.constant 0 : i32
        %dma_start3A_89 = arith.constant 0 : i32
        %dma_start3A_90 = tpu.memref_slice %arg5[%rem3A_44, %dma_start3A_88, %dma_start3A_89] : memref<2x64x128xf32, #tpu.memory_space<vmem>> -> memref<1x64x128xf32, #tpu.memory_space<vmem>>
        %dma_start3A_91 = tpu.memref_squeeze %dma_start3A_90 : memref<1x64x128xf32, #tpu.memory_space<vmem>> -> memref<64x128xf32, #tpu.memory_space<vmem>>
        tpu.enqueue_dma source(%dma_start3A_91 : memref<64x128xf32, #tpu.memory_space<vmem>>) target(%dma_start3A_87 : memref<64x128xf32, #tpu.memory_space<hbm>>) target_semaphore(%dma_start3A_85 : memref<!tpu.dma_semaphore, #tpu.memory_space<semaphore_mem>>)
      } else {
      }
    }
    %scan3A_7 = arith.constant 245 : i32
    %sub3A = arith.constant 7812 : i32
    %sub3A_8 = arith.subi %sub3A, %add3A : i32
    %jit3A = arith.constant 32 : i32
    %div3A = arith.divsi %sub3A_8, %jit3A : i32
    %sign3A = arith.constant 0 : i32
    %sign3A_9 = arith.cmpi sgt, %sub3A_8, %sign3A : i32
    %sign3A_10 = arith.extui %sign3A_9 : i1 to i32
    %sign3A_11 = arith.constant 0 : i32
    %sign3A_12 = arith.cmpi slt, %sub3A_8, %sign3A_11 : i32
    %sign3A_13 = arith.extui %sign3A_12 : i1 to i32
    %sign3A_14 = arith.subi %sign3A_10, %sign3A_13 : i32
    %sign3A_15 = arith.constant 0 : i32
    %sign3A_16 = arith.cmpi sgt, %jit3A, %sign3A_15 : i32
    %sign3A_17 = arith.extui %sign3A_16 : i1 to i32
    %sign3A_18 = arith.constant 0 : i32
    %sign3A_19 = arith.cmpi slt, %jit3A, %sign3A_18 : i32
    %sign3A_20 = arith.extui %sign3A_19 : i1 to i32
    %sign3A_21 = arith.subi %sign3A_17, %sign3A_20 : i32
    %ne3A = arith.cmpi ne, %sign3A_14, %sign3A_21 : i32
    %rem3A = arith.remsi %sub3A_8, %jit3A : i32
    %ne3A_22 = arith.constant 0 : i32
    %ne3A_23 = arith.cmpi ne, %rem3A, %ne3A_22 : i32
    %and3A = arith.andi %ne3A, %ne3A_23 : i1
    %sub3A_24 = arith.constant 1 : i32
    %sub3A_25 = arith.subi %div3A, %sub3A_24 : i32
    %select_n3A = arith.select %and3A, %sub3A_25, %div3A : i32
    %sub3A_26 = arith.constant 0 : i32
    %sub3A_27 = arith.subi %select_n3A, %sub3A_26 : i32
    %ge3A = arith.constant 0 : i32
    %ge3A_28 = arith.cmpi sge, %sub3A_27, %ge3A : i32
    %convert_element_type3A_29 = arith.extui %ge3A_28 : i1 to i32
    %cond3A_30 = arith.constant 0 : i32
    %cond3A_31 = arith.cmpi ne, %convert_element_type3A_29, %cond3A_30 : i32
    scf.if %cond3A_31 {
      %rem3A_39 = arith.constant 2 : i32
      %rem3A_40 = arith.remsi %sub3A_27, %rem3A_39 : i32
      %mul3A_41 = arith.constant 32 : i32
      %mul3A_42 = arith.muli %sub3A_27, %mul3A_41 : i32
      %add3A_43 = arith.addi %add3A, %mul3A_42 : i32
      %mul3A_44 = arith.constant 64 : i32
      %mul3A_45 = arith.muli %add3A_43, %mul3A_44 : i32
      %rem3A_46 = arith.constant 2 : i32
      %rem3A_47 = arith.remsi %sub3A_27, %rem3A_46 : i32
      %dma_wait3A = arith.constant 0 : i32
      %dma_wait3A_48 = arith.constant 0 : i32
      %dma_wait3A_49 = tpu.memref_slice %arg5[%rem3A_40, %dma_wait3A, %dma_wait3A_48] : memref<2x64x128xf32, #tpu.memory_space<vmem>> -> memref<1x64x128xf32, #tpu.memory_space<vmem>>
      %dma_wait3A_50 = tpu.memref_squeeze %dma_wait3A_49 : memref<1x64x128xf32, #tpu.memory_space<vmem>> -> memref<64x128xf32, #tpu.memory_space<vmem>>
      %dma_wait3A_51 = arith.constant 0 : i32
      %dma_wait3A_52 = tpu.memref_slice %arg3[%mul3A_45, %dma_wait3A_51] : memref<500032x128xf32, #tpu.memory_space<hbm>> -> memref<64x128xf32, #tpu.memory_space<hbm>>
      %dma_wait3A_53 = tpu.memref_slice %arg7[%rem3A_47] : memref<2x!tpu.dma_semaphore, #tpu.memory_space<semaphore_mem>> -> memref<1x!tpu.dma_semaphore, #tpu.memory_space<semaphore_mem>>
      %dma_wait3A_54 = tpu.memref_squeeze %dma_wait3A_53 : memref<1x!tpu.dma_semaphore, #tpu.memory_space<semaphore_mem>> -> memref<!tpu.dma_semaphore, #tpu.memory_space<semaphore_mem>>
      %dma_wait3A_55 = arith.constant 0 : i32
      %dma_wait3A_56 = tpu.memref_slice %arg3[%mul3A_45, %dma_wait3A_55] : memref<500032x128xf32, #tpu.memory_space<hbm>> -> memref<64x128xf32, #tpu.memory_space<hbm>>
      %dma_wait3A_57 = arith.constant 0 : i32
      %dma_wait3A_58 = arith.constant 0 : i32
      %dma_wait3A_59 = tpu.memref_slice %arg5[%rem3A_40, %dma_wait3A_57, %dma_wait3A_58] : memref<2x64x128xf32, #tpu.memory_space<vmem>> -> memref<1x64x128xf32, #tpu.memory_space<vmem>>
      %dma_wait3A_60 = tpu.memref_squeeze %dma_wait3A_59 : memref<1x64x128xf32, #tpu.memory_space<vmem>> -> memref<64x128xf32, #tpu.memory_space<vmem>>
      tpu.wait_dma2 semaphore(%dma_wait3A_54 : memref<!tpu.dma_semaphore, #tpu.memory_space<semaphore_mem>>) src(%dma_wait3A_60 : memref<64x128xf32, #tpu.memory_space<vmem>>) dst(%dma_wait3A_56 : memref<64x128xf32, #tpu.memory_space<hbm>>)
    } else {
    }
    %sub3A_32 = arith.constant 1 : i32
    %sub3A_33 = arith.subi %select_n3A, %sub3A_32 : i32
    %ge3A_34 = arith.constant 0 : i32
    %ge3A_35 = arith.cmpi sge, %sub3A_33, %ge3A_34 : i32
    %convert_element_type3A_36 = arith.extui %ge3A_35 : i1 to i32
    %cond3A_37 = arith.constant 0 : i32
    %cond3A_38 = arith.cmpi ne, %convert_element_type3A_36, %cond3A_37 : i32
    scf.if %cond3A_38 {
      %rem3A_39 = arith.constant 2 : i32
      %rem3A_40 = arith.remsi %sub3A_33, %rem3A_39 : i32
      %mul3A_41 = arith.constant 32 : i32
      %mul3A_42 = arith.muli %sub3A_33, %mul3A_41 : i32
      %add3A_43 = arith.addi %add3A, %mul3A_42 : i32
      %mul3A_44 = arith.constant 64 : i32
      %mul3A_45 = arith.muli %add3A_43, %mul3A_44 : i32
      %rem3A_46 = arith.constant 2 : i32
      %rem3A_47 = arith.remsi %sub3A_33, %rem3A_46 : i32
      %dma_wait3A = arith.constant 0 : i32
      %dma_wait3A_48 = arith.constant 0 : i32
      %dma_wait3A_49 = tpu.memref_slice %arg5[%rem3A_40, %dma_wait3A, %dma_wait3A_48] : memref<2x64x128xf32, #tpu.memory_space<vmem>> -> memref<1x64x128xf32, #tpu.memory_space<vmem>>
      %dma_wait3A_50 = tpu.memref_squeeze %dma_wait3A_49 : memref<1x64x128xf32, #tpu.memory_space<vmem>> -> memref<64x128xf32, #tpu.memory_space<vmem>>
      %dma_wait3A_51 = arith.constant 0 : i32
      %dma_wait3A_52 = tpu.memref_slice %arg3[%mul3A_45, %dma_wait3A_51] : memref<500032x128xf32, #tpu.memory_space<hbm>> -> memref<64x128xf32, #tpu.memory_space<hbm>>
      %dma_wait3A_53 = tpu.memref_slice %arg7[%rem3A_47] : memref<2x!tpu.dma_semaphore, #tpu.memory_space<semaphore_mem>> -> memref<1x!tpu.dma_semaphore, #tpu.memory_space<semaphore_mem>>
      %dma_wait3A_54 = tpu.memref_squeeze %dma_wait3A_53 : memref<1x!tpu.dma_semaphore, #tpu.memory_space<semaphore_mem>> -> memref<!tpu.dma_semaphore, #tpu.memory_space<semaphore_mem>>
      %dma_wait3A_55 = arith.constant 0 : i32
      %dma_wait3A_56 = tpu.memref_slice %arg3[%mul3A_45, %dma_wait3A_55] : memref<500032x128xf32, #tpu.memory_space<hbm>> -> memref<64x128xf32, #tpu.memory_space<hbm>>
      %dma_wait3A_57 = arith.constant 0 : i32
      %dma_wait3A_58 = arith.constant 0 : i32
      %dma_wait3A_59 = tpu.memref_slice %arg5[%rem3A_40, %dma_wait3A_57, %dma_wait3A_58] : memref<2x64x128xf32, #tpu.memory_space<vmem>> -> memref<1x64x128xf32, #tpu.memory_space<vmem>>
      %dma_wait3A_60 = tpu.memref_squeeze %dma_wait3A_59 : memref<1x64x128xf32, #tpu.memory_space<vmem>> -> memref<64x128xf32, #tpu.memory_space<vmem>>
      tpu.wait_dma2 semaphore(%dma_wait3A_54 : memref<!tpu.dma_semaphore, #tpu.memory_space<semaphore_mem>>) src(%dma_wait3A_60 : memref<64x128xf32, #tpu.memory_space<vmem>>) dst(%dma_wait3A_56 : memref<64x128xf32, #tpu.memory_space<hbm>>)
    } else {
    }
    return
  }
}

#map = affine_map<(d0, d1) -> (0, 0, 0, 0)>
#map1 = affine_map<(d0, d1) -> (0, 0)>
#map2 = affine_map<(d0, d1) -> (0)>
#map3 = affine_map<(d0, d1) -> (0, 0, 0, 0, 0)>
module attributes {stable_mosaic.version = 14 : i64} {
  func.func @_emb_kernel(%arg0: i32, %arg1: i32, %arg2: memref<25x32x8x128xi32, #tpu.memory_space<hbm>>, %arg3: memref<1000064x64xf32, #tpu.memory_space<hbm>>, %arg4: memref<12800xf32, #tpu.memory_space<hbm>>, %arg5: memref<200x8x32x8x128xf32, #tpu.memory_space<hbm>>, %arg6: memref<2x2x128xi32, #tpu.memory_space<vmem>>, %arg7: memref<2x2x128x64xf32, #tpu.memory_space<vmem>>, %arg8: memref<2x2x8x1x8x128xf32, #tpu.memory_space<vmem>>, %arg9: memref<12800xf32, #tpu.memory_space<vmem>>, %arg10: memref<2x!tpu.dma_semaphore, #tpu.memory_space<semaphore_mem>>, %arg11: memref<2x!tpu.dma_semaphore, #tpu.memory_space<semaphore_mem>>, %arg12: memref<2x!tpu.dma_semaphore, #tpu.memory_space<semaphore_mem>>) attributes {dimension_semantics = [#tpu.dimension_semantics<core_parallel>, #tpu.dimension_semantics<subcore_parallel>], iteration_bounds = array<i64: 2, 16>, scalar_prefetch = 0 : i64, scratch_operands = 7 : i64, tpu.core_type = #tpu.core_type<sc_vector_subcore>, window_params = [{transform_indices = #map}, {transform_indices = #map1}, {transform_indices = #map2}, {transform_indices = #map3}]} {
    %mul3A = arith.constant 2 : i32
    %mul3A_0 = arith.muli %arg1, %mul3A : i32
    %add3A = arith.addi %mul3A_0, %arg0 : i32
    "tpu.region"() ({
      %run_scoped3A_116 = tpu.sem_alloc : memref<!tpu.dma_semaphore, #tpu.memory_space<semaphore_mem>>
      tpu.enqueue_dma source(%arg4 : memref<12800xf32, #tpu.memory_space<hbm>>) target(%arg9 : memref<12800xf32, #tpu.memory_space<vmem>>) target_semaphore(%run_scoped3A_116 : memref<!tpu.dma_semaphore, #tpu.memory_space<semaphore_mem>>)
      tpu.wait_dma2 semaphore(%run_scoped3A_116 : memref<!tpu.dma_semaphore, #tpu.memory_space<semaphore_mem>>) src(%arg4 : memref<12800xf32, #tpu.memory_space<hbm>>) dst(%arg9 : memref<12800xf32, #tpu.memory_space<vmem>>)
      tpu.yield
    }) : () -> ()
    %iota3A = tpu.iota {dimensions = array<i32: 0>} : vector<16xi32>
    %run_scoped3A = arith.constant 0 : i32
    %run_scoped3A_1 = arith.constant 0 : i32
    "tpu.region"() ({
      %run_scoped3A_116 = tpu.sem_alloc : memref<!tpu.dma_semaphore, #tpu.memory_space<semaphore_mem>>
      %dma_start3A_117 = arith.constant 0 : i32
      %dma_start3A_118 = arith.constant 0 : i32
      %dma_start3A_119 = tpu.memref_slice %arg6[%run_scoped3A_1, %dma_start3A_117, %dma_start3A_118] : memref<2x2x128xi32, #tpu.memory_space<vmem>> -> memref<1x2x128xi32, #tpu.memory_space<vmem>>
      %dma_start3A_120 = tpu.memref_squeeze %dma_start3A_119 : memref<1x2x128xi32, #tpu.memory_space<vmem>> -> memref<2x128xi32, #tpu.memory_space<vmem>>
      %dma_start3A_121 = arith.constant 0 : i32
      %dma_start3A_122 = arith.constant 0 : i32
      %dma_start3A_123 = tpu.memref_slice %arg2[%run_scoped3A, %add3A, %dma_start3A_121, %dma_start3A_122] : memref<25x32x8x128xi32, #tpu.memory_space<hbm>> -> memref<1x1x2x128xi32, #tpu.memory_space<hbm>>
      %dma_start3A_124 = tpu.memref_squeeze %dma_start3A_123 : memref<1x1x2x128xi32, #tpu.memory_space<hbm>> -> memref<2x128xi32, #tpu.memory_space<hbm>>
      %dma_start3A_125 = arith.constant 0 : i32
      %dma_start3A_126 = arith.constant 0 : i32
      %dma_start3A_127 = tpu.memref_slice %arg6[%run_scoped3A_1, %dma_start3A_125, %dma_start3A_126] : memref<2x2x128xi32, #tpu.memory_space<vmem>> -> memref<1x2x128xi32, #tpu.memory_space<vmem>>
      %dma_start3A_128 = tpu.memref_squeeze %dma_start3A_127 : memref<1x2x128xi32, #tpu.memory_space<vmem>> -> memref<2x128xi32, #tpu.memory_space<vmem>>
      %dma_start3A_129 = arith.constant 0 : i32
      %dma_start3A_130 = arith.constant 0 : i32
      %dma_start3A_131 = tpu.memref_slice %arg2[%run_scoped3A, %add3A, %dma_start3A_129, %dma_start3A_130] : memref<25x32x8x128xi32, #tpu.memory_space<hbm>> -> memref<1x1x2x128xi32, #tpu.memory_space<hbm>>
      %dma_start3A_132 = tpu.memref_squeeze %dma_start3A_131 : memref<1x1x2x128xi32, #tpu.memory_space<hbm>> -> memref<2x128xi32, #tpu.memory_space<hbm>>
      tpu.enqueue_dma source(%dma_start3A_132 : memref<2x128xi32, #tpu.memory_space<hbm>>) target(%dma_start3A_128 : memref<2x128xi32, #tpu.memory_space<vmem>>) target_semaphore(%run_scoped3A_116 : memref<!tpu.dma_semaphore, #tpu.memory_space<semaphore_mem>>)
      %dma_wait3A_133 = arith.constant 0 : i32
      %dma_wait3A_134 = arith.constant 0 : i32
      %dma_wait3A_135 = tpu.memref_slice %arg6[%run_scoped3A_1, %dma_wait3A_133, %dma_wait3A_134] : memref<2x2x128xi32, #tpu.memory_space<vmem>> -> memref<1x2x128xi32, #tpu.memory_space<vmem>>
      %dma_wait3A_136 = tpu.memref_squeeze %dma_wait3A_135 : memref<1x2x128xi32, #tpu.memory_space<vmem>> -> memref<2x128xi32, #tpu.memory_space<vmem>>
      %dma_wait3A_137 = arith.constant 0 : i32
      %dma_wait3A_138 = arith.constant 0 : i32
      %dma_wait3A_139 = tpu.memref_slice %arg2[%run_scoped3A, %add3A, %dma_wait3A_137, %dma_wait3A_138] : memref<25x32x8x128xi32, #tpu.memory_space<hbm>> -> memref<1x1x2x128xi32, #tpu.memory_space<hbm>>
      %dma_wait3A_140 = tpu.memref_squeeze %dma_wait3A_139 : memref<1x1x2x128xi32, #tpu.memory_space<hbm>> -> memref<2x128xi32, #tpu.memory_space<hbm>>
      %dma_wait3A_141 = arith.constant 0 : i32
      %dma_wait3A_142 = arith.constant 0 : i32
      %dma_wait3A_143 = tpu.memref_slice %arg6[%run_scoped3A_1, %dma_wait3A_141, %dma_wait3A_142] : memref<2x2x128xi32, #tpu.memory_space<vmem>> -> memref<1x2x128xi32, #tpu.memory_space<vmem>>
      %dma_wait3A_144 = tpu.memref_squeeze %dma_wait3A_143 : memref<1x2x128xi32, #tpu.memory_space<vmem>> -> memref<2x128xi32, #tpu.memory_space<vmem>>
      %dma_wait3A_145 = arith.constant 0 : i32
      %dma_wait3A_146 = arith.constant 0 : i32
      %dma_wait3A_147 = tpu.memref_slice %arg2[%run_scoped3A, %add3A, %dma_wait3A_145, %dma_wait3A_146] : memref<25x32x8x128xi32, #tpu.memory_space<hbm>> -> memref<1x1x2x128xi32, #tpu.memory_space<hbm>>
      %dma_wait3A_148 = tpu.memref_squeeze %dma_wait3A_147 : memref<1x1x2x128xi32, #tpu.memory_space<hbm>> -> memref<2x128xi32, #tpu.memory_space<hbm>>
      tpu.wait_dma2 semaphore(%run_scoped3A_116 : memref<!tpu.dma_semaphore, #tpu.memory_space<semaphore_mem>>) src(%dma_wait3A_148 : memref<2x128xi32, #tpu.memory_space<hbm>>) dst(%dma_wait3A_144 : memref<2x128xi32, #tpu.memory_space<vmem>>)
      tpu.yield
    }) : () -> ()
    %dma_start3A = arith.constant 0 : i32
    %dma_start3A_2 = arith.constant 0 : i32
    %dma_start3A_3 = arith.constant 0 : i32
    %dma_start3A_4 = arith.constant 0 : i32
    %dma_start3A_5 = arith.constant 0 : i32
    %dma_start3A_6 = arith.constant 0 : i32
    %dma_start3A_7 = arith.constant 0 : i32
    %dma_start3A_8 = tpu.memref_slice %arg7[%dma_start3A_3, %dma_start3A_4, %dma_start3A_6, %dma_start3A_7] : memref<2x2x128x64xf32, #tpu.memory_space<vmem>> -> memref<1x1x128x64xf32, #tpu.memory_space<vmem>>
    %dma_start3A_9 = tpu.memref_squeeze %dma_start3A_8 : memref<1x1x128x64xf32, #tpu.memory_space<vmem>> -> memref<128x64xf32, #tpu.memory_space<vmem>>
    %dma_start3A_10 = arith.constant 0 : i32
    %dma_start3A_11 = tpu.memref_slice %arg6[%dma_start3A, %dma_start3A_2, %dma_start3A_10] : memref<2x2x128xi32, #tpu.memory_space<vmem>> -> memref<1x1x128xi32, #tpu.memory_space<vmem>>
    %dma_start3A_12 = tpu.memref_squeeze %dma_start3A_11 : memref<1x1x128xi32, #tpu.memory_space<vmem>> -> memref<128xi32, #tpu.memory_space<vmem>>
    %dma_start3A_13 = arith.constant 0 : i32
    %dma_start3A_14 = arith.constant 0 : i32
    %dma_start3A_15 = tpu.memref_slice %arg3[%dma_start3A_13, %dma_start3A_14] : memref<1000064x64xf32, #tpu.memory_space<hbm>> -> memref<1000064x64xf32, #tpu.memory_space<hbm>>
    %dma_start3A_16 = tpu.memref_slice %arg11[%dma_start3A_5] : memref<2x!tpu.dma_semaphore, #tpu.memory_space<semaphore_mem>> -> memref<1x!tpu.dma_semaphore, #tpu.memory_space<semaphore_mem>>
    %dma_start3A_17 = tpu.memref_squeeze %dma_start3A_16 : memref<1x!tpu.dma_semaphore, #tpu.memory_space<semaphore_mem>> -> memref<!tpu.dma_semaphore, #tpu.memory_space<semaphore_mem>>
    tpu.enqueue_indirect_dma source(%dma_start3A_15 : memref<1000064x64xf32, #tpu.memory_space<hbm>>) target(%dma_start3A_9 : memref<128x64xf32, #tpu.memory_space<vmem>>) offsets(%dma_start3A_12 : memref<128xi32, #tpu.memory_space<vmem>>) semaphore(%dma_start3A_17 : memref<!tpu.dma_semaphore, #tpu.memory_space<semaphore_mem>>)
    %dma_start3A_18 = arith.constant 0 : i32
    %dma_start3A_19 = arith.constant 1 : i32
    %dma_start3A_20 = arith.constant 0 : i32
    %dma_start3A_21 = arith.constant 1 : i32
    %dma_start3A_22 = arith.constant 0 : i32
    %dma_start3A_23 = arith.constant 0 : i32
    %dma_start3A_24 = arith.constant 0 : i32
    %dma_start3A_25 = tpu.memref_slice %arg7[%dma_start3A_20, %dma_start3A_21, %dma_start3A_23, %dma_start3A_24] : memref<2x2x128x64xf32, #tpu.memory_space<vmem>> -> memref<1x1x128x64xf32, #tpu.memory_space<vmem>>
    %dma_start3A_26 = tpu.memref_squeeze %dma_start3A_25 : memref<1x1x128x64xf32, #tpu.memory_space<vmem>> -> memref<128x64xf32, #tpu.memory_space<vmem>>
    %dma_start3A_27 = arith.constant 0 : i32
    %dma_start3A_28 = tpu.memref_slice %arg6[%dma_start3A_18, %dma_start3A_19, %dma_start3A_27] : memref<2x2x128xi32, #tpu.memory_space<vmem>> -> memref<1x1x128xi32, #tpu.memory_space<vmem>>
    %dma_start3A_29 = tpu.memref_squeeze %dma_start3A_28 : memref<1x1x128xi32, #tpu.memory_space<vmem>> -> memref<128xi32, #tpu.memory_space<vmem>>
    %dma_start3A_30 = arith.constant 0 : i32
    %dma_start3A_31 = arith.constant 0 : i32
    %dma_start3A_32 = tpu.memref_slice %arg3[%dma_start3A_30, %dma_start3A_31] : memref<1000064x64xf32, #tpu.memory_space<hbm>> -> memref<1000064x64xf32, #tpu.memory_space<hbm>>
    %dma_start3A_33 = tpu.memref_slice %arg11[%dma_start3A_22] : memref<2x!tpu.dma_semaphore, #tpu.memory_space<semaphore_mem>> -> memref<1x!tpu.dma_semaphore, #tpu.memory_space<semaphore_mem>>
    %dma_start3A_34 = tpu.memref_squeeze %dma_start3A_33 : memref<1x!tpu.dma_semaphore, #tpu.memory_space<semaphore_mem>> -> memref<!tpu.dma_semaphore, #tpu.memory_space<semaphore_mem>>
    tpu.enqueue_indirect_dma source(%dma_start3A_32 : memref<1000064x64xf32, #tpu.memory_space<hbm>>) target(%dma_start3A_26 : memref<128x64xf32, #tpu.memory_space<vmem>>) offsets(%dma_start3A_29 : memref<128xi32, #tpu.memory_space<vmem>>) semaphore(%dma_start3A_34 : memref<!tpu.dma_semaphore, #tpu.memory_space<semaphore_mem>>)
    %dma_start3A_35 = arith.constant 0 : i32
    %dma_start3A_36 = arith.constant 1 : i32
    %dma_start3A_37 = arith.constant 1 : i32
    %dma_start3A_38 = arith.constant 0 : i32
    %dma_start3A_39 = arith.constant 0 : i32
    %dma_start3A_40 = tpu.memref_slice %arg6[%dma_start3A_36, %dma_start3A_38, %dma_start3A_39] : memref<2x2x128xi32, #tpu.memory_space<vmem>> -> memref<1x2x128xi32, #tpu.memory_space<vmem>>
    %dma_start3A_41 = tpu.memref_squeeze %dma_start3A_40 : memref<1x2x128xi32, #tpu.memory_space<vmem>> -> memref<2x128xi32, #tpu.memory_space<vmem>>
    %dma_start3A_42 = arith.constant 2 : i32
    %dma_start3A_43 = arith.constant 0 : i32
    %dma_start3A_44 = tpu.memref_slice %arg2[%dma_start3A_35, %add3A, %dma_start3A_42, %dma_start3A_43] : memref<25x32x8x128xi32, #tpu.memory_space<hbm>> -> memref<1x1x2x128xi32, #tpu.memory_space<hbm>>
    %dma_start3A_45 = tpu.memref_squeeze %dma_start3A_44 : memref<1x1x2x128xi32, #tpu.memory_space<hbm>> -> memref<2x128xi32, #tpu.memory_space<hbm>>
    %dma_start3A_46 = tpu.memref_slice %arg10[%dma_start3A_37] : memref<2x!tpu.dma_semaphore, #tpu.memory_space<semaphore_mem>> -> memref<1x!tpu.dma_semaphore, #tpu.memory_space<semaphore_mem>>
    %dma_start3A_47 = tpu.memref_squeeze %dma_start3A_46 : memref<1x!tpu.dma_semaphore, #tpu.memory_space<semaphore_mem>> -> memref<!tpu.dma_semaphore, #tpu.memory_space<semaphore_mem>>
    %dma_start3A_48 = arith.constant 0 : i32
    %dma_start3A_49 = arith.constant 0 : i32
    %dma_start3A_50 = tpu.memref_slice %arg6[%dma_start3A_36, %dma_start3A_48, %dma_start3A_49] : memref<2x2x128xi32, #tpu.memory_space<vmem>> -> memref<1x2x128xi32, #tpu.memory_space<vmem>>
    %dma_start3A_51 = tpu.memref_squeeze %dma_start3A_50 : memref<1x2x128xi32, #tpu.memory_space<vmem>> -> memref<2x128xi32, #tpu.memory_space<vmem>>
    %dma_start3A_52 = arith.constant 2 : i32
    %dma_start3A_53 = arith.constant 0 : i32
    %dma_start3A_54 = tpu.memref_slice %arg2[%dma_start3A_35, %add3A, %dma_start3A_52, %dma_start3A_53] : memref<25x32x8x128xi32, #tpu.memory_space<hbm>> -> memref<1x1x2x128xi32, #tpu.memory_space<hbm>>
    %dma_start3A_55 = tpu.memref_squeeze %dma_start3A_54 : memref<1x1x2x128xi32, #tpu.memory_space<hbm>> -> memref<2x128xi32, #tpu.memory_space<hbm>>
    tpu.enqueue_dma source(%dma_start3A_55 : memref<2x128xi32, #tpu.memory_space<hbm>>) target(%dma_start3A_51 : memref<2x128xi32, #tpu.memory_space<vmem>>) target_semaphore(%dma_start3A_47 : memref<!tpu.dma_semaphore, #tpu.memory_space<semaphore_mem>>)
    %scan3A = arith.constant 0 : i32
    %scan3A_56 = arith.constant 0 : i32
    %scan3A_57 = arith.constant 100 : i32
    %scan3A_58 = arith.addi %scan3A_56, %scan3A_57 : i32
    %scan3A_59 = arith.constant 1 : i32
    scf.for %scan3A_116 = %scan3A_56 to %scan3A_58 step %scan3A_59  : i32 {
      %rem3A = arith.constant 2 : i32
      %rem3A_117 = arith.remsi %scan3A_116, %rem3A : i32
      %sub3A = arith.constant 1 : i32
      %sub3A_118 = arith.subi %sub3A, %rem3A_117 : i32
      %mul3A_119 = arith.constant 2 : i32
      %mul3A_120 = arith.muli %scan3A_116, %mul3A_119 : i32
      %dma_wait3A_121 = arith.constant 0 : i32
      %dma_wait3A_122 = arith.constant 0 : i32
      %dma_wait3A_123 = arith.constant 0 : i32
      %dma_wait3A_124 = arith.constant 0 : i32
      %dma_wait3A_125 = tpu.memref_slice %arg7[%rem3A_117, %dma_wait3A_122, %dma_wait3A_123, %dma_wait3A_124] : memref<2x2x128x64xf32, #tpu.memory_space<vmem>> -> memref<1x1x128x64xf32, #tpu.memory_space<vmem>>
      %dma_wait3A_126 = tpu.memref_squeeze %dma_wait3A_125 : memref<1x1x128x64xf32, #tpu.memory_space<vmem>> -> memref<128x64xf32, #tpu.memory_space<vmem>>
      %dma_wait3A_127 = arith.constant 0 : i32
      %dma_wait3A_128 = tpu.memref_slice %arg6[%rem3A_117, %dma_wait3A_121, %dma_wait3A_127] : memref<2x2x128xi32, #tpu.memory_space<vmem>> -> memref<1x1x128xi32, #tpu.memory_space<vmem>>
      %dma_wait3A_129 = tpu.memref_squeeze %dma_wait3A_128 : memref<1x1x128xi32, #tpu.memory_space<vmem>> -> memref<128xi32, #tpu.memory_space<vmem>>
      %dma_wait3A_130 = arith.constant 0 : i32
      %dma_wait3A_131 = arith.constant 0 : i32
      %dma_wait3A_132 = tpu.memref_slice %arg3[%dma_wait3A_130, %dma_wait3A_131] : memref<1000064x64xf32, #tpu.memory_space<hbm>> -> memref<1000064x64xf32, #tpu.memory_space<hbm>>
      %dma_wait3A_133 = tpu.memref_slice %arg11[%rem3A_117] : memref<2x!tpu.dma_semaphore, #tpu.memory_space<semaphore_mem>> -> memref<1x!tpu.dma_semaphore, #tpu.memory_space<semaphore_mem>>
      %dma_wait3A_134 = tpu.memref_squeeze %dma_wait3A_133 : memref<1x!tpu.dma_semaphore, #tpu.memory_space<semaphore_mem>> -> memref<!tpu.dma_semaphore, #tpu.memory_space<semaphore_mem>>
      tpu.wait_indirect_dma semaphore(%dma_wait3A_134 : memref<!tpu.dma_semaphore, #tpu.memory_space<semaphore_mem>>) src(%dma_wait3A_132 : memref<1000064x64xf32, #tpu.memory_space<hbm>>) dst(%dma_wait3A_126 : memref<128x64xf32, #tpu.memory_space<vmem>>)
      %dma_wait3A_135 = arith.constant 1 : i32
      %dma_wait3A_136 = arith.constant 1 : i32
      %dma_wait3A_137 = arith.constant 0 : i32
      %dma_wait3A_138 = arith.constant 0 : i32
      %dma_wait3A_139 = tpu.memref_slice %arg7[%rem3A_117, %dma_wait3A_136, %dma_wait3A_137, %dma_wait3A_138] : memref<2x2x128x64xf32, #tpu.memory_space<vmem>> -> memref<1x1x128x64xf32, #tpu.memory_space<vmem>>
      %dma_wait3A_140 = tpu.memref_squeeze %dma_wait3A_139 : memref<1x1x128x64xf32, #tpu.memory_space<vmem>> -> memref<128x64xf32, #tpu.memory_space<vmem>>
      %dma_wait3A_141 = arith.constant 0 : i32
      %dma_wait3A_142 = tpu.memref_slice %arg6[%rem3A_117, %dma_wait3A_135, %dma_wait3A_141] : memref<2x2x128xi32, #tpu.memory_space<vmem>> -> memref<1x1x128xi32, #tpu.memory_space<vmem>>
      %dma_wait3A_143 = tpu.memref_squeeze %dma_wait3A_142 : memref<1x1x128xi32, #tpu.memory_space<vmem>> -> memref<128xi32, #tpu.memory_space<vmem>>
      %dma_wait3A_144 = arith.constant 0 : i32
      %dma_wait3A_145 = arith.constant 0 : i32
      %dma_wait3A_146 = tpu.memref_slice %arg3[%dma_wait3A_144, %dma_wait3A_145] : memref<1000064x64xf32, #tpu.memory_space<hbm>> -> memref<1000064x64xf32, #tpu.memory_space<hbm>>
      %dma_wait3A_147 = tpu.memref_slice %arg11[%rem3A_117] : memref<2x!tpu.dma_semaphore, #tpu.memory_space<semaphore_mem>> -> memref<1x!tpu.dma_semaphore, #tpu.memory_space<semaphore_mem>>
      %dma_wait3A_148 = tpu.memref_squeeze %dma_wait3A_147 : memref<1x!tpu.dma_semaphore, #tpu.memory_space<semaphore_mem>> -> memref<!tpu.dma_semaphore, #tpu.memory_space<semaphore_mem>>
      tpu.wait_indirect_dma semaphore(%dma_wait3A_148 : memref<!tpu.dma_semaphore, #tpu.memory_space<semaphore_mem>>) src(%dma_wait3A_146 : memref<1000064x64xf32, #tpu.memory_space<hbm>>) dst(%dma_wait3A_140 : memref<128x64xf32, #tpu.memory_space<vmem>>)
      %add3A_149 = arith.constant 1 : i32
      %add3A_150 = arith.addi %scan3A_116, %add3A_149 : i32
      %lt3A = arith.constant 100 : i32
      %lt3A_151 = arith.cmpi slt, %add3A_150, %lt3A : i32
      %convert_element_type3A = arith.extui %lt3A_151 : i1 to i32
      %cond3A = arith.constant 0 : i32
      %cond3A_152 = arith.cmpi ne, %convert_element_type3A, %cond3A : i32
      scf.if %cond3A_152 {
        %add3A_190 = arith.constant 1 : i32
        %add3A_191 = arith.addi %scan3A_116, %add3A_190 : i32
        %jit3A = arith.constant 4 : i32
        %div3A = arith.divsi %add3A_191, %jit3A : i32
        %sign3A = arith.constant 0 : i32
        %sign3A_192 = arith.cmpi sgt, %add3A_191, %sign3A : i32
        %sign3A_193 = arith.extui %sign3A_192 : i1 to i32
        %sign3A_194 = arith.constant 0 : i32
        %sign3A_195 = arith.cmpi slt, %add3A_191, %sign3A_194 : i32
        %sign3A_196 = arith.extui %sign3A_195 : i1 to i32
        %sign3A_197 = arith.subi %sign3A_193, %sign3A_196 : i32
        %sign3A_198 = arith.constant 0 : i32
        %sign3A_199 = arith.cmpi sgt, %jit3A, %sign3A_198 : i32
        %sign3A_200 = arith.extui %sign3A_199 : i1 to i32
        %sign3A_201 = arith.constant 0 : i32
        %sign3A_202 = arith.cmpi slt, %jit3A, %sign3A_201 : i32
        %sign3A_203 = arith.extui %sign3A_202 : i1 to i32
        %sign3A_204 = arith.subi %sign3A_200, %sign3A_203 : i32
        %ne3A = arith.cmpi ne, %sign3A_197, %sign3A_204 : i32
        %rem3A_205 = arith.remsi %add3A_191, %jit3A : i32
        %ne3A_206 = arith.constant 0 : i32
        %ne3A_207 = arith.cmpi ne, %rem3A_205, %ne3A_206 : i32
        %and3A = arith.andi %ne3A, %ne3A_207 : i1
        %sub3A_208 = arith.constant 1 : i32
        %sub3A_209 = arith.subi %div3A, %sub3A_208 : i32
        %select_n3A = arith.select %and3A, %sub3A_209, %div3A : i32
        %jit3A_210 = arith.constant 4 : i32
        %eq3A = arith.constant 0 : i32
        %eq3A_211 = arith.cmpi eq, %jit3A_210, %eq3A : i32
        %jit3A_212 = arith.constant 1 : i32
        %select_n3A_213 = arith.select %eq3A_211, %jit3A_212, %jit3A_210 : i32
        %rem3A_214 = arith.remsi %add3A_191, %select_n3A_213 : i32
        %ne3A_215 = arith.constant 0 : i32
        %ne3A_216 = arith.cmpi ne, %rem3A_214, %ne3A_215 : i32
        %lt3A_217 = arith.constant 0 : i32
        %lt3A_218 = arith.cmpi slt, %rem3A_214, %lt3A_217 : i32
        %lt3A_219 = arith.constant 0 : i32
        %lt3A_220 = arith.cmpi slt, %select_n3A_213, %lt3A_219 : i32
        %ne3A_221 = arith.xori %lt3A_218, %lt3A_220 : i1
        %and3A_222 = arith.andi %ne3A_221, %ne3A_216 : i1
        %add3A_223 = arith.addi %rem3A_214, %select_n3A_213 : i32
        %select_n3A_224 = arith.select %and3A_222, %add3A_223, %rem3A_214 : i32
        %mul3A_225 = arith.constant 2 : i32
        %mul3A_226 = arith.muli %select_n3A_224, %mul3A_225 : i32
        %dma_wait3A_227 = arith.constant 0 : i32
        %dma_wait3A_228 = arith.constant 0 : i32
        %dma_wait3A_229 = tpu.memref_slice %arg6[%sub3A_118, %dma_wait3A_227, %dma_wait3A_228] : memref<2x2x128xi32, #tpu.memory_space<vmem>> -> memref<1x2x128xi32, #tpu.memory_space<vmem>>
        %dma_wait3A_230 = tpu.memref_squeeze %dma_wait3A_229 : memref<1x2x128xi32, #tpu.memory_space<vmem>> -> memref<2x128xi32, #tpu.memory_space<vmem>>
        %dma_wait3A_231 = arith.constant 0 : i32
        %dma_wait3A_232 = tpu.memref_slice %arg2[%select_n3A, %add3A, %mul3A_226, %dma_wait3A_231] : memref<25x32x8x128xi32, #tpu.memory_space<hbm>> -> memref<1x1x2x128xi32, #tpu.memory_space<hbm>>
        %dma_wait3A_233 = tpu.memref_squeeze %dma_wait3A_232 : memref<1x1x2x128xi32, #tpu.memory_space<hbm>> -> memref<2x128xi32, #tpu.memory_space<hbm>>
        %dma_wait3A_234 = tpu.memref_slice %arg10[%sub3A_118] : memref<2x!tpu.dma_semaphore, #tpu.memory_space<semaphore_mem>> -> memref<1x!tpu.dma_semaphore, #tpu.memory_space<semaphore_mem>>
        %dma_wait3A_235 = tpu.memref_squeeze %dma_wait3A_234 : memref<1x!tpu.dma_semaphore, #tpu.memory_space<semaphore_mem>> -> memref<!tpu.dma_semaphore, #tpu.memory_space<semaphore_mem>>
        %dma_wait3A_236 = arith.constant 0 : i32
        %dma_wait3A_237 = arith.constant 0 : i32
        %dma_wait3A_238 = tpu.memref_slice %arg6[%sub3A_118, %dma_wait3A_236, %dma_wait3A_237] : memref<2x2x128xi32, #tpu.memory_space<vmem>> -> memref<1x2x128xi32, #tpu.memory_space<vmem>>
        %dma_wait3A_239 = tpu.memref_squeeze %dma_wait3A_238 : memref<1x2x128xi32, #tpu.memory_space<vmem>> -> memref<2x128xi32, #tpu.memory_space<vmem>>
        %dma_wait3A_240 = arith.constant 0 : i32
        %dma_wait3A_241 = tpu.memref_slice %arg2[%select_n3A, %add3A, %mul3A_226, %dma_wait3A_240] : memref<25x32x8x128xi32, #tpu.memory_space<hbm>> -> memref<1x1x2x128xi32, #tpu.memory_space<hbm>>
        %dma_wait3A_242 = tpu.memref_squeeze %dma_wait3A_241 : memref<1x1x2x128xi32, #tpu.memory_space<hbm>> -> memref<2x128xi32, #tpu.memory_space<hbm>>
        tpu.wait_dma2 semaphore(%dma_wait3A_235 : memref<!tpu.dma_semaphore, #tpu.memory_space<semaphore_mem>>) src(%dma_wait3A_242 : memref<2x128xi32, #tpu.memory_space<hbm>>) dst(%dma_wait3A_239 : memref<2x128xi32, #tpu.memory_space<vmem>>)
        %dma_start3A_243 = arith.constant 0 : i32
        %dma_start3A_244 = arith.constant 0 : i32
        %dma_start3A_245 = arith.constant 0 : i32
        %dma_start3A_246 = arith.constant 0 : i32
        %dma_start3A_247 = tpu.memref_slice %arg7[%sub3A_118, %dma_start3A_244, %dma_start3A_245, %dma_start3A_246] : memref<2x2x128x64xf32, #tpu.memory_space<vmem>> -> memref<1x1x128x64xf32, #tpu.memory_space<vmem>>
        %dma_start3A_248 = tpu.memref_squeeze %dma_start3A_247 : memref<1x1x128x64xf32, #tpu.memory_space<vmem>> -> memref<128x64xf32, #tpu.memory_space<vmem>>
        %dma_start3A_249 = arith.constant 0 : i32
        %dma_start3A_250 = tpu.memref_slice %arg6[%sub3A_118, %dma_start3A_243, %dma_start3A_249] : memref<2x2x128xi32, #tpu.memory_space<vmem>> -> memref<1x1x128xi32, #tpu.memory_space<vmem>>
        %dma_start3A_251 = tpu.memref_squeeze %dma_start3A_250 : memref<1x1x128xi32, #tpu.memory_space<vmem>> -> memref<128xi32, #tpu.memory_space<vmem>>
        %dma_start3A_252 = arith.constant 0 : i32
        %dma_start3A_253 = arith.constant 0 : i32
        %dma_start3A_254 = tpu.memref_slice %arg3[%dma_start3A_252, %dma_start3A_253] : memref<1000064x64xf32, #tpu.memory_space<hbm>> -> memref<1000064x64xf32, #tpu.memory_space<hbm>>
        %dma_start3A_255 = tpu.memref_slice %arg11[%sub3A_118] : memref<2x!tpu.dma_semaphore, #tpu.memory_space<semaphore_mem>> -> memref<1x!tpu.dma_semaphore, #tpu.memory_space<semaphore_mem>>
        %dma_start3A_256 = tpu.memref_squeeze %dma_start3A_255 : memref<1x!tpu.dma_semaphore, #tpu.memory_space<semaphore_mem>> -> memref<!tpu.dma_semaphore, #tpu.memory_space<semaphore_mem>>
        tpu.enqueue_indirect_dma source(%dma_start3A_254 : memref<1000064x64xf32, #tpu.memory_space<hbm>>) target(%dma_start3A_248 : memref<128x64xf32, #tpu.memory_space<vmem>>) offsets(%dma_start3A_251 : memref<128xi32, #tpu.memory_space<vmem>>) semaphore(%dma_start3A_256 : memref<!tpu.dma_semaphore, #tpu.memory_space<semaphore_mem>>)
        %dma_start3A_257 = arith.constant 1 : i32
        %dma_start3A_258 = arith.constant 1 : i32
        %dma_start3A_259 = arith.constant 0 : i32
        %dma_start3A_260 = arith.constant 0 : i32
        %dma_start3A_261 = tpu.memref_slice %arg7[%sub3A_118, %dma_start3A_258, %dma_start3A_259, %dma_start3A_260] : memref<2x2x128x64xf32, #tpu.memory_space<vmem>> -> memref<1x1x128x64xf32, #tpu.memory_space<vmem>>
        %dma_start3A_262 = tpu.memref_squeeze %dma_start3A_261 : memref<1x1x128x64xf32, #tpu.memory_space<vmem>> -> memref<128x64xf32, #tpu.memory_space<vmem>>
        %dma_start3A_263 = arith.constant 0 : i32
        %dma_start3A_264 = tpu.memref_slice %arg6[%sub3A_118, %dma_start3A_257, %dma_start3A_263] : memref<2x2x128xi32, #tpu.memory_space<vmem>> -> memref<1x1x128xi32, #tpu.memory_space<vmem>>
        %dma_start3A_265 = tpu.memref_squeeze %dma_start3A_264 : memref<1x1x128xi32, #tpu.memory_space<vmem>> -> memref<128xi32, #tpu.memory_space<vmem>>
        %dma_start3A_266 = arith.constant 0 : i32
        %dma_start3A_267 = arith.constant 0 : i32
        %dma_start3A_268 = tpu.memref_slice %arg3[%dma_start3A_266, %dma_start3A_267] : memref<1000064x64xf32, #tpu.memory_space<hbm>> -> memref<1000064x64xf32, #tpu.memory_space<hbm>>
        %dma_start3A_269 = tpu.memref_slice %arg11[%sub3A_118] : memref<2x!tpu.dma_semaphore, #tpu.memory_space<semaphore_mem>> -> memref<1x!tpu.dma_semaphore, #tpu.memory_space<semaphore_mem>>
        %dma_start3A_270 = tpu.memref_squeeze %dma_start3A_269 : memref<1x!tpu.dma_semaphore, #tpu.memory_space<semaphore_mem>> -> memref<!tpu.dma_semaphore, #tpu.memory_space<semaphore_mem>>
        tpu.enqueue_indirect_dma source(%dma_start3A_268 : memref<1000064x64xf32, #tpu.memory_space<hbm>>) target(%dma_start3A_262 : memref<128x64xf32, #tpu.memory_space<vmem>>) offsets(%dma_start3A_265 : memref<128xi32, #tpu.memory_space<vmem>>) semaphore(%dma_start3A_270 : memref<!tpu.dma_semaphore, #tpu.memory_space<semaphore_mem>>)
      } else {
      }
      %add3A_153 = arith.constant 2 : i32
      %add3A_154 = arith.addi %scan3A_116, %add3A_153 : i32
      %lt3A_155 = arith.constant 100 : i32
      %lt3A_156 = arith.cmpi slt, %add3A_154, %lt3A_155 : i32
      %convert_element_type3A_157 = arith.extui %lt3A_156 : i1 to i32
      %cond3A_158 = arith.constant 0 : i32
      %cond3A_159 = arith.cmpi ne, %convert_element_type3A_157, %cond3A_158 : i32
      scf.if %cond3A_159 {
        %add3A_190 = arith.constant 2 : i32
        %add3A_191 = arith.addi %scan3A_116, %add3A_190 : i32
        %jit3A = arith.constant 4 : i32
        %div3A = arith.divsi %add3A_191, %jit3A : i32
        %sign3A = arith.constant 0 : i32
        %sign3A_192 = arith.cmpi sgt, %add3A_191, %sign3A : i32
        %sign3A_193 = arith.extui %sign3A_192 : i1 to i32
        %sign3A_194 = arith.constant 0 : i32
        %sign3A_195 = arith.cmpi slt, %add3A_191, %sign3A_194 : i32
        %sign3A_196 = arith.extui %sign3A_195 : i1 to i32
        %sign3A_197 = arith.subi %sign3A_193, %sign3A_196 : i32
        %sign3A_198 = arith.constant 0 : i32
        %sign3A_199 = arith.cmpi sgt, %jit3A, %sign3A_198 : i32
        %sign3A_200 = arith.extui %sign3A_199 : i1 to i32
        %sign3A_201 = arith.constant 0 : i32
        %sign3A_202 = arith.cmpi slt, %jit3A, %sign3A_201 : i32
        %sign3A_203 = arith.extui %sign3A_202 : i1 to i32
        %sign3A_204 = arith.subi %sign3A_200, %sign3A_203 : i32
        %ne3A = arith.cmpi ne, %sign3A_197, %sign3A_204 : i32
        %rem3A_205 = arith.remsi %add3A_191, %jit3A : i32
        %ne3A_206 = arith.constant 0 : i32
        %ne3A_207 = arith.cmpi ne, %rem3A_205, %ne3A_206 : i32
        %and3A = arith.andi %ne3A, %ne3A_207 : i1
        %sub3A_208 = arith.constant 1 : i32
        %sub3A_209 = arith.subi %div3A, %sub3A_208 : i32
        %select_n3A = arith.select %and3A, %sub3A_209, %div3A : i32
        %jit3A_210 = arith.constant 4 : i32
        %eq3A = arith.constant 0 : i32
        %eq3A_211 = arith.cmpi eq, %jit3A_210, %eq3A : i32
        %jit3A_212 = arith.constant 1 : i32
        %select_n3A_213 = arith.select %eq3A_211, %jit3A_212, %jit3A_210 : i32
        %rem3A_214 = arith.remsi %add3A_191, %select_n3A_213 : i32
        %ne3A_215 = arith.constant 0 : i32
        %ne3A_216 = arith.cmpi ne, %rem3A_214, %ne3A_215 : i32
        %lt3A_217 = arith.constant 0 : i32
        %lt3A_218 = arith.cmpi slt, %rem3A_214, %lt3A_217 : i32
        %lt3A_219 = arith.constant 0 : i32
        %lt3A_220 = arith.cmpi slt, %select_n3A_213, %lt3A_219 : i32
        %ne3A_221 = arith.xori %lt3A_218, %lt3A_220 : i1
        %and3A_222 = arith.andi %ne3A_221, %ne3A_216 : i1
        %add3A_223 = arith.addi %rem3A_214, %select_n3A_213 : i32
        %select_n3A_224 = arith.select %and3A_222, %add3A_223, %rem3A_214 : i32
        %mul3A_225 = arith.constant 2 : i32
        %mul3A_226 = arith.muli %select_n3A_224, %mul3A_225 : i32
        %dma_start3A_227 = arith.constant 0 : i32
        %dma_start3A_228 = arith.constant 0 : i32
        %dma_start3A_229 = tpu.memref_slice %arg6[%rem3A_117, %dma_start3A_227, %dma_start3A_228] : memref<2x2x128xi32, #tpu.memory_space<vmem>> -> memref<1x2x128xi32, #tpu.memory_space<vmem>>
        %dma_start3A_230 = tpu.memref_squeeze %dma_start3A_229 : memref<1x2x128xi32, #tpu.memory_space<vmem>> -> memref<2x128xi32, #tpu.memory_space<vmem>>
        %dma_start3A_231 = arith.constant 0 : i32
        %dma_start3A_232 = tpu.memref_slice %arg2[%select_n3A, %add3A, %mul3A_226, %dma_start3A_231] : memref<25x32x8x128xi32, #tpu.memory_space<hbm>> -> memref<1x1x2x128xi32, #tpu.memory_space<hbm>>
        %dma_start3A_233 = tpu.memref_squeeze %dma_start3A_232 : memref<1x1x2x128xi32, #tpu.memory_space<hbm>> -> memref<2x128xi32, #tpu.memory_space<hbm>>
        %dma_start3A_234 = tpu.memref_slice %arg10[%rem3A_117] : memref<2x!tpu.dma_semaphore, #tpu.memory_space<semaphore_mem>> -> memref<1x!tpu.dma_semaphore, #tpu.memory_space<semaphore_mem>>
        %dma_start3A_235 = tpu.memref_squeeze %dma_start3A_234 : memref<1x!tpu.dma_semaphore, #tpu.memory_space<semaphore_mem>> -> memref<!tpu.dma_semaphore, #tpu.memory_space<semaphore_mem>>
        %dma_start3A_236 = arith.constant 0 : i32
        %dma_start3A_237 = arith.constant 0 : i32
        %dma_start3A_238 = tpu.memref_slice %arg6[%rem3A_117, %dma_start3A_236, %dma_start3A_237] : memref<2x2x128xi32, #tpu.memory_space<vmem>> -> memref<1x2x128xi32, #tpu.memory_space<vmem>>
        %dma_start3A_239 = tpu.memref_squeeze %dma_start3A_238 : memref<1x2x128xi32, #tpu.memory_space<vmem>> -> memref<2x128xi32, #tpu.memory_space<vmem>>
        %dma_start3A_240 = arith.constant 0 : i32
        %dma_start3A_241 = tpu.memref_slice %arg2[%select_n3A, %add3A, %mul3A_226, %dma_start3A_240] : memref<25x32x8x128xi32, #tpu.memory_space<hbm>> -> memref<1x1x2x128xi32, #tpu.memory_space<hbm>>
        %dma_start3A_242 = tpu.memref_squeeze %dma_start3A_241 : memref<1x1x2x128xi32, #tpu.memory_space<hbm>> -> memref<2x128xi32, #tpu.memory_space<hbm>>
        tpu.enqueue_dma source(%dma_start3A_242 : memref<2x128xi32, #tpu.memory_space<hbm>>) target(%dma_start3A_239 : memref<2x128xi32, #tpu.memory_space<vmem>>) target_semaphore(%dma_start3A_235 : memref<!tpu.dma_semaphore, #tpu.memory_space<semaphore_mem>>)
      } else {
      }
      %ge3A = arith.constant 2 : i32
      %ge3A_160 = arith.cmpi sge, %scan3A_116, %ge3A : i32
      %convert_element_type3A_161 = arith.extui %ge3A_160 : i1 to i32
      %cond3A_162 = arith.constant 0 : i32
      %cond3A_163 = arith.cmpi ne, %convert_element_type3A_161, %cond3A_162 : i32
      scf.if %cond3A_163 {
        %dma_wait3A_190 = arith.constant 0 : i32
        %dma_wait3A_191 = arith.constant 0 : i32
        %dma_wait3A_192 = arith.constant 0 : i32
        %dma_wait3A_193 = arith.constant 0 : i32
        %dma_wait3A_194 = arith.constant 0 : i32
        %dma_wait3A_195 = tpu.memref_slice %arg8[%rem3A_117, %dma_wait3A_190, %dma_wait3A_191, %dma_wait3A_192, %dma_wait3A_193, %dma_wait3A_194] : memref<2x2x8x1x8x128xf32, #tpu.memory_space<vmem>> -> memref<1x2x8x1x8x128xf32, #tpu.memory_space<vmem>>
        %dma_wait3A_196 = tpu.memref_squeeze %dma_wait3A_195 : memref<1x2x8x1x8x128xf32, #tpu.memory_space<vmem>> -> memref<2x8x1x8x128xf32, #tpu.memory_space<vmem>>
        %dma_wait3A_197 = arith.constant 0 : i32
        %dma_wait3A_198 = arith.constant 0 : i32
        %dma_wait3A_199 = arith.constant 0 : i32
        %dma_wait3A_200 = tpu.memref_slice %arg5[%mul3A_120, %dma_wait3A_197, %add3A, %dma_wait3A_198, %dma_wait3A_199] : memref<200x8x32x8x128xf32, #tpu.memory_space<hbm>> -> memref<2x8x1x8x128xf32, #tpu.memory_space<hbm>>
        %dma_wait3A_201 = tpu.memref_slice %arg12[%rem3A_117] : memref<2x!tpu.dma_semaphore, #tpu.memory_space<semaphore_mem>> -> memref<1x!tpu.dma_semaphore, #tpu.memory_space<semaphore_mem>>
        %dma_wait3A_202 = tpu.memref_squeeze %dma_wait3A_201 : memref<1x!tpu.dma_semaphore, #tpu.memory_space<semaphore_mem>> -> memref<!tpu.dma_semaphore, #tpu.memory_space<semaphore_mem>>
        %dma_wait3A_203 = arith.constant 0 : i32
        %dma_wait3A_204 = arith.constant 0 : i32
        %dma_wait3A_205 = arith.constant 0 : i32
        %dma_wait3A_206 = tpu.memref_slice %arg5[%mul3A_120, %dma_wait3A_203, %add3A, %dma_wait3A_204, %dma_wait3A_205] : memref<200x8x32x8x128xf32, #tpu.memory_space<hbm>> -> memref<2x8x1x8x128xf32, #tpu.memory_space<hbm>>
        %dma_wait3A_207 = arith.constant 0 : i32
        %dma_wait3A_208 = arith.constant 0 : i32
        %dma_wait3A_209 = arith.constant 0 : i32
        %dma_wait3A_210 = arith.constant 0 : i32
        %dma_wait3A_211 = arith.constant 0 : i32
        %dma_wait3A_212 = tpu.memref_slice %arg8[%rem3A_117, %dma_wait3A_207, %dma_wait3A_208, %dma_wait3A_209, %dma_wait3A_210, %dma_wait3A_211] : memref<2x2x8x1x8x128xf32, #tpu.memory_space<vmem>> -> memref<1x2x8x1x8x128xf32, #tpu.memory_space<vmem>>
        %dma_wait3A_213 = tpu.memref_squeeze %dma_wait3A_212 : memref<1x2x8x1x8x128xf32, #tpu.memory_space<vmem>> -> memref<2x8x1x8x128xf32, #tpu.memory_space<vmem>>
        tpu.wait_dma2 semaphore(%dma_wait3A_202 : memref<!tpu.dma_semaphore, #tpu.memory_space<semaphore_mem>>) src(%dma_wait3A_213 : memref<2x8x1x8x128xf32, #tpu.memory_space<vmem>>) dst(%dma_wait3A_206 : memref<2x8x1x8x128xf32, #tpu.memory_space<hbm>>)
      } else {
      }
      %parallel_loop3A = arith.constant 0 : i32
      %parallel_loop3A_164 = arith.constant 128 : i32
      %parallel_loop3A_165 = arith.constant 1 : i32
      scf.for %parallel_loop3A_190 = %parallel_loop3A to %parallel_loop3A_164 step %parallel_loop3A_165  : i32 {
        %parallel_loop3A_191 = arith.constant 6 : i32
        %parallel_loop3A_192 = arith.shrsi %parallel_loop3A_190, %parallel_loop3A_191 : i32
        %parallel_loop3A_193 = arith.constant 63 : i32
        %parallel_loop3A_194 = arith.andi %parallel_loop3A_190, %parallel_loop3A_193 : i32
        %parallel_loop3A_195 = vector.broadcast %parallel_loop3A_194 : i32 to vector<16xi32>
        %parallel_loop3A_196 = arith.addi %iota3A, %parallel_loop3A_195 : vector<16xi32>
        %parallel_loop3A_197 = arith.constant 15 : i32
        %parallel_loop3A_198 = vector.broadcast %parallel_loop3A_197 : i32 to vector<16xi32>
        %parallel_loop3A_199 = arith.andi %parallel_loop3A_196, %parallel_loop3A_198 : vector<16xi32>
        %parallel_loop3A_200 = arith.constant 48 : i32
        %parallel_loop3A_201 = arith.andi %parallel_loop3A_194, %parallel_loop3A_200 : i32
        %parallel_loop3A_202 = vector.broadcast %parallel_loop3A_201 : i32 to vector<16xi32>
        %parallel_loop3A_203 = arith.addi %parallel_loop3A_199, %parallel_loop3A_202 : vector<16xi32>
        %parallel_loop3A_204 = arith.constant 3 : i32
        %parallel_loop3A_205 = vector.broadcast %parallel_loop3A_204 : i32 to vector<16xi32>
        %parallel_loop3A_206 = arith.shrsi %parallel_loop3A_203, %parallel_loop3A_205 : vector<16xi32>
        %parallel_loop3A_207 = arith.constant 7 : i32
        %parallel_loop3A_208 = vector.broadcast %parallel_loop3A_207 : i32 to vector<16xi32>
        %parallel_loop3A_209 = arith.andi %parallel_loop3A_203, %parallel_loop3A_208 : vector<16xi32>
        %parallel_loop3A_210 = arith.addi %mul3A_120, %parallel_loop3A_192 : i32
        %parallel_loop3A_211 = arith.constant 64 : i32
        %parallel_loop3A_212 = arith.muli %parallel_loop3A_210, %parallel_loop3A_211 : i32
        %parallel_loop3A_213 = arith.addi %parallel_loop3A_212, %parallel_loop3A_201 : i32
        %parallel_loop3A_214 = vector.broadcast %parallel_loop3A_213 : i32 to vector<16xi32>
        %parallel_loop3A_215 = arith.addi %parallel_loop3A_199, %parallel_loop3A_214 : vector<16xi32>
        %parallel_loop3A_216 = tpu.vector_load_idx %arg9[%parallel_loop3A_215] : memref<12800xf32, #tpu.memory_space<vmem>>[vector<16xi32>], vector<16xf32>,
        %parallel_loop3A_217 = arith.constant 0 : i32
        %parallel_loop3A_218 = vector.broadcast %parallel_loop3A_217 : i32 to vector<16xi32>
        %parallel_loop3A_219 = arith.addi %iota3A, %parallel_loop3A_218 : vector<16xi32>
        %parallel_loop3A_220 = arith.constant 0 : i32
        %parallel_loop3A_221 = arith.constant 0 : i32
        %parallel_loop3A_222 = tpu.memref_slice %arg7[%rem3A_117, %parallel_loop3A_192, %parallel_loop3A_220, %parallel_loop3A_221] : memref<2x2x128x64xf32, #tpu.memory_space<vmem>> -> memref<1x1x128x64xf32, #tpu.memory_space<vmem>>
        %parallel_loop3A_223 = tpu.memref_squeeze %parallel_loop3A_222 : memref<1x1x128x64xf32, #tpu.memory_space<vmem>> -> memref<128x64xf32, #tpu.memory_space<vmem>>
        %parallel_loop3A_224 = tpu.vector_load_idx %parallel_loop3A_223[%parallel_loop3A_219, %parallel_loop3A_203] : memref<128x64xf32, #tpu.memory_space<vmem>>[vector<16xi32>, vector<16xi32>], vector<16xf32>,
        %parallel_loop3A_225 = arith.constant 0 : i32
        %parallel_loop3A_226 = vector.broadcast %parallel_loop3A_225 : i32 to vector<16xi32>
        %parallel_loop3A_227 = arith.addf %parallel_loop3A_224, %parallel_loop3A_216 : vector<16xf32>
        %parallel_loop3A_228 = arith.constant 0 : i32
        %parallel_loop3A_229 = arith.constant 0 : i32
        %parallel_loop3A_230 = arith.constant 0 : i32
        %parallel_loop3A_231 = arith.constant 0 : i32
        %parallel_loop3A_232 = tpu.memref_slice %arg8[%rem3A_117, %parallel_loop3A_192, %parallel_loop3A_228, %parallel_loop3A_229, %parallel_loop3A_230, %parallel_loop3A_231] : memref<2x2x8x1x8x128xf32, #tpu.memory_space<vmem>> -> memref<1x1x8x1x8x128xf32, #tpu.memory_space<vmem>>
        %parallel_loop3A_233 = tpu.memref_squeeze %parallel_loop3A_232 : memref<1x1x8x1x8x128xf32, #tpu.memory_space<vmem>> -> memref<8x1x8x128xf32, #tpu.memory_space<vmem>>
        tpu.vector_store_idx %parallel_loop3A_233[%parallel_loop3A_206, %parallel_loop3A_226, %parallel_loop3A_209, %parallel_loop3A_219], %parallel_loop3A_227 : memref<8x1x8x128xf32, #tpu.memory_space<vmem>>[vector<16xi32>, vector<16xi32>, vector<16xi32>, vector<16xi32>], vector<16xf32>,
        %parallel_loop3A_234 = arith.constant 16 : i32
        %parallel_loop3A_235 = vector.broadcast %parallel_loop3A_234 : i32 to vector<16xi32>
        %parallel_loop3A_236 = arith.addi %iota3A, %parallel_loop3A_235 : vector<16xi32>
        %parallel_loop3A_237 = arith.constant 0 : i32
        %parallel_loop3A_238 = arith.constant 0 : i32
        %parallel_loop3A_239 = tpu.memref_slice %arg7[%rem3A_117, %parallel_loop3A_192, %parallel_loop3A_237, %parallel_loop3A_238] : memref<2x2x128x64xf32, #tpu.memory_space<vmem>> -> memref<1x1x128x64xf32, #tpu.memory_space<vmem>>
        %parallel_loop3A_240 = tpu.memref_squeeze %parallel_loop3A_239 : memref<1x1x128x64xf32, #tpu.memory_space<vmem>> -> memref<128x64xf32, #tpu.memory_space<vmem>>
        %parallel_loop3A_241 = tpu.vector_load_idx %parallel_loop3A_240[%parallel_loop3A_236, %parallel_loop3A_203] : memref<128x64xf32, #tpu.memory_space<vmem>>[vector<16xi32>, vector<16xi32>], vector<16xf32>,
        %parallel_loop3A_242 = arith.constant 0 : i32
        %parallel_loop3A_243 = vector.broadcast %parallel_loop3A_242 : i32 to vector<16xi32>
        %parallel_loop3A_244 = arith.addf %parallel_loop3A_241, %parallel_loop3A_216 : vector<16xf32>
        %parallel_loop3A_245 = arith.constant 0 : i32
        %parallel_loop3A_246 = arith.constant 0 : i32
        %parallel_loop3A_247 = arith.constant 0 : i32
        %parallel_loop3A_248 = arith.constant 0 : i32
        %parallel_loop3A_249 = tpu.memref_slice %arg8[%rem3A_117, %parallel_loop3A_192, %parallel_loop3A_245, %parallel_loop3A_246, %parallel_loop3A_247, %parallel_loop3A_248] : memref<2x2x8x1x8x128xf32, #tpu.memory_space<vmem>> -> memref<1x1x8x1x8x128xf32, #tpu.memory_space<vmem>>
        %parallel_loop3A_250 = tpu.memref_squeeze %parallel_loop3A_249 : memref<1x1x8x1x8x128xf32, #tpu.memory_space<vmem>> -> memref<8x1x8x128xf32, #tpu.memory_space<vmem>>
        tpu.vector_store_idx %parallel_loop3A_250[%parallel_loop3A_206, %parallel_loop3A_243, %parallel_loop3A_209, %parallel_loop3A_236], %parallel_loop3A_244 : memref<8x1x8x128xf32, #tpu.memory_space<vmem>>[vector<16xi32>, vector<16xi32>, vector<16xi32>, vector<16xi32>], vector<16xf32>,
        %parallel_loop3A_251 = arith.constant 32 : i32
        %parallel_loop3A_252 = vector.broadcast %parallel_loop3A_251 : i32 to vector<16xi32>
        %parallel_loop3A_253 = arith.addi %iota3A, %parallel_loop3A_252 : vector<16xi32>
        %parallel_loop3A_254 = arith.constant 0 : i32
        %parallel_loop3A_255 = arith.constant 0 : i32
        %parallel_loop3A_256 = tpu.memref_slice %arg7[%rem3A_117, %parallel_loop3A_192, %parallel_loop3A_254, %parallel_loop3A_255] : memref<2x2x128x64xf32, #tpu.memory_space<vmem>> -> memref<1x1x128x64xf32, #tpu.memory_space<vmem>>
        %parallel_loop3A_257 = tpu.memref_squeeze %parallel_loop3A_256 : memref<1x1x128x64xf32, #tpu.memory_space<vmem>> -> memref<128x64xf32, #tpu.memory_space<vmem>>
        %parallel_loop3A_258 = tpu.vector_load_idx %parallel_loop3A_257[%parallel_loop3A_253, %parallel_loop3A_203] : memref<128x64xf32, #tpu.memory_space<vmem>>[vector<16xi32>, vector<16xi32>], vector<16xf32>,
        %parallel_loop3A_259 = arith.constant 0 : i32
        %parallel_loop3A_260 = vector.broadcast %parallel_loop3A_259 : i32 to vector<16xi32>
        %parallel_loop3A_261 = arith.addf %parallel_loop3A_258, %parallel_loop3A_216 : vector<16xf32>
        %parallel_loop3A_262 = arith.constant 0 : i32
        %parallel_loop3A_263 = arith.constant 0 : i32
        %parallel_loop3A_264 = arith.constant 0 : i32
        %parallel_loop3A_265 = arith.constant 0 : i32
        %parallel_loop3A_266 = tpu.memref_slice %arg8[%rem3A_117, %parallel_loop3A_192, %parallel_loop3A_262, %parallel_loop3A_263, %parallel_loop3A_264, %parallel_loop3A_265] : memref<2x2x8x1x8x128xf32, #tpu.memory_space<vmem>> -> memref<1x1x8x1x8x128xf32, #tpu.memory_space<vmem>>
        %parallel_loop3A_267 = tpu.memref_squeeze %parallel_loop3A_266 : memref<1x1x8x1x8x128xf32, #tpu.memory_space<vmem>> -> memref<8x1x8x128xf32, #tpu.memory_space<vmem>>
        tpu.vector_store_idx %parallel_loop3A_267[%parallel_loop3A_206, %parallel_loop3A_260, %parallel_loop3A_209, %parallel_loop3A_253], %parallel_loop3A_261 : memref<8x1x8x128xf32, #tpu.memory_space<vmem>>[vector<16xi32>, vector<16xi32>, vector<16xi32>, vector<16xi32>], vector<16xf32>,
        %parallel_loop3A_268 = arith.constant 48 : i32
        %parallel_loop3A_269 = vector.broadcast %parallel_loop3A_268 : i32 to vector<16xi32>
        %parallel_loop3A_270 = arith.addi %iota3A, %parallel_loop3A_269 : vector<16xi32>
        %parallel_loop3A_271 = arith.constant 0 : i32
        %parallel_loop3A_272 = arith.constant 0 : i32
        %parallel_loop3A_273 = tpu.memref_slice %arg7[%rem3A_117, %parallel_loop3A_192, %parallel_loop3A_271, %parallel_loop3A_272] : memref<2x2x128x64xf32, #tpu.memory_space<vmem>> -> memref<1x1x128x64xf32, #tpu.memory_space<vmem>>
        %parallel_loop3A_274 = tpu.memref_squeeze %parallel_loop3A_273 : memref<1x1x128x64xf32, #tpu.memory_space<vmem>> -> memref<128x64xf32, #tpu.memory_space<vmem>>
        %parallel_loop3A_275 = tpu.vector_load_idx %parallel_loop3A_274[%parallel_loop3A_270, %parallel_loop3A_203] : memref<128x64xf32, #tpu.memory_space<vmem>>[vector<16xi32>, vector<16xi32>], vector<16xf32>,
        %parallel_loop3A_276 = arith.constant 0 : i32
        %parallel_loop3A_277 = vector.broadcast %parallel_loop3A_276 : i32 to vector<16xi32>
        %parallel_loop3A_278 = arith.addf %parallel_loop3A_275, %parallel_loop3A_216 : vector<16xf32>
        %parallel_loop3A_279 = arith.constant 0 : i32
        %parallel_loop3A_280 = arith.constant 0 : i32
        %parallel_loop3A_281 = arith.constant 0 : i32
        %parallel_loop3A_282 = arith.constant 0 : i32
        %parallel_loop3A_283 = tpu.memref_slice %arg8[%rem3A_117, %parallel_loop3A_192, %parallel_loop3A_279, %parallel_loop3A_280, %parallel_loop3A_281, %parallel_loop3A_282] : memref<2x2x8x1x8x128xf32, #tpu.memory_space<vmem>> -> memref<1x1x8x1x8x128xf32, #tpu.memory_space<vmem>>
        %parallel_loop3A_284 = tpu.memref_squeeze %parallel_loop3A_283 : memref<1x1x8x1x8x128xf32, #tpu.memory_space<vmem>> -> memref<8x1x8x128xf32, #tpu.memory_space<vmem>>
        tpu.vector_store_idx %parallel_loop3A_284[%parallel_loop3A_206, %parallel_loop3A_277, %parallel_loop3A_209, %parallel_loop3A_270], %parallel_loop3A_278 : memref<8x1x8x128xf32, #tpu.memory_space<vmem>>[vector<16xi32>, vector<16xi32>, vector<16xi32>, vector<16xi32>], vector<16xf32>,
        %parallel_loop3A_285 = arith.constant 64 : i32
        %parallel_loop3A_286 = vector.broadcast %parallel_loop3A_285 : i32 to vector<16xi32>
        %parallel_loop3A_287 = arith.addi %iota3A, %parallel_loop3A_286 : vector<16xi32>
        %parallel_loop3A_288 = arith.constant 0 : i32
        %parallel_loop3A_289 = arith.constant 0 : i32
        %parallel_loop3A_290 = tpu.memref_slice %arg7[%rem3A_117, %parallel_loop3A_192, %parallel_loop3A_288, %parallel_loop3A_289] : memref<2x2x128x64xf32, #tpu.memory_space<vmem>> -> memref<1x1x128x64xf32, #tpu.memory_space<vmem>>
        %parallel_loop3A_291 = tpu.memref_squeeze %parallel_loop3A_290 : memref<1x1x128x64xf32, #tpu.memory_space<vmem>> -> memref<128x64xf32, #tpu.memory_space<vmem>>
        %parallel_loop3A_292 = tpu.vector_load_idx %parallel_loop3A_291[%parallel_loop3A_287, %parallel_loop3A_203] : memref<128x64xf32, #tpu.memory_space<vmem>>[vector<16xi32>, vector<16xi32>], vector<16xf32>,
        %parallel_loop3A_293 = arith.constant 0 : i32
        %parallel_loop3A_294 = vector.broadcast %parallel_loop3A_293 : i32 to vector<16xi32>
        %parallel_loop3A_295 = arith.addf %parallel_loop3A_292, %parallel_loop3A_216 : vector<16xf32>
        %parallel_loop3A_296 = arith.constant 0 : i32
        %parallel_loop3A_297 = arith.constant 0 : i32
        %parallel_loop3A_298 = arith.constant 0 : i32
        %parallel_loop3A_299 = arith.constant 0 : i32
        %parallel_loop3A_300 = tpu.memref_slice %arg8[%rem3A_117, %parallel_loop3A_192, %parallel_loop3A_296, %parallel_loop3A_297, %parallel_loop3A_298, %parallel_loop3A_299] : memref<2x2x8x1x8x128xf32, #tpu.memory_space<vmem>> -> memref<1x1x8x1x8x128xf32, #tpu.memory_space<vmem>>
        %parallel_loop3A_301 = tpu.memref_squeeze %parallel_loop3A_300 : memref<1x1x8x1x8x128xf32, #tpu.memory_space<vmem>> -> memref<8x1x8x128xf32, #tpu.memory_space<vmem>>
        tpu.vector_store_idx %parallel_loop3A_301[%parallel_loop3A_206, %parallel_loop3A_294, %parallel_loop3A_209, %parallel_loop3A_287], %parallel_loop3A_295 : memref<8x1x8x128xf32, #tpu.memory_space<vmem>>[vector<16xi32>, vector<16xi32>, vector<16xi32>, vector<16xi32>], vector<16xf32>,
        %parallel_loop3A_302 = arith.constant 80 : i32
        %parallel_loop3A_303 = vector.broadcast %parallel_loop3A_302 : i32 to vector<16xi32>
        %parallel_loop3A_304 = arith.addi %iota3A, %parallel_loop3A_303 : vector<16xi32>
        %parallel_loop3A_305 = arith.constant 0 : i32
        %parallel_loop3A_306 = arith.constant 0 : i32
        %parallel_loop3A_307 = tpu.memref_slice %arg7[%rem3A_117, %parallel_loop3A_192, %parallel_loop3A_305, %parallel_loop3A_306] : memref<2x2x128x64xf32, #tpu.memory_space<vmem>> -> memref<1x1x128x64xf32, #tpu.memory_space<vmem>>
        %parallel_loop3A_308 = tpu.memref_squeeze %parallel_loop3A_307 : memref<1x1x128x64xf32, #tpu.memory_space<vmem>> -> memref<128x64xf32, #tpu.memory_space<vmem>>
        %parallel_loop3A_309 = tpu.vector_load_idx %parallel_loop3A_308[%parallel_loop3A_304, %parallel_loop3A_203] : memref<128x64xf32, #tpu.memory_space<vmem>>[vector<16xi32>, vector<16xi32>], vector<16xf32>,
        %parallel_loop3A_310 = arith.constant 0 : i32
        %parallel_loop3A_311 = vector.broadcast %parallel_loop3A_310 : i32 to vector<16xi32>
        %parallel_loop3A_312 = arith.addf %parallel_loop3A_309, %parallel_loop3A_216 : vector<16xf32>
        %parallel_loop3A_313 = arith.constant 0 : i32
        %parallel_loop3A_314 = arith.constant 0 : i32
        %parallel_loop3A_315 = arith.constant 0 : i32
        %parallel_loop3A_316 = arith.constant 0 : i32
        %parallel_loop3A_317 = tpu.memref_slice %arg8[%rem3A_117, %parallel_loop3A_192, %parallel_loop3A_313, %parallel_loop3A_314, %parallel_loop3A_315, %parallel_loop3A_316] : memref<2x2x8x1x8x128xf32, #tpu.memory_space<vmem>> -> memref<1x1x8x1x8x128xf32, #tpu.memory_space<vmem>>
        %parallel_loop3A_318 = tpu.memref_squeeze %parallel_loop3A_317 : memref<1x1x8x1x8x128xf32, #tpu.memory_space<vmem>> -> memref<8x1x8x128xf32, #tpu.memory_space<vmem>>
        tpu.vector_store_idx %parallel_loop3A_318[%parallel_loop3A_206, %parallel_loop3A_311, %parallel_loop3A_209, %parallel_loop3A_304], %parallel_loop3A_312 : memref<8x1x8x128xf32, #tpu.memory_space<vmem>>[vector<16xi32>, vector<16xi32>, vector<16xi32>, vector<16xi32>], vector<16xf32>,
        %parallel_loop3A_319 = arith.constant 96 : i32
        %parallel_loop3A_320 = vector.broadcast %parallel_loop3A_319 : i32 to vector<16xi32>
        %parallel_loop3A_321 = arith.addi %iota3A, %parallel_loop3A_320 : vector<16xi32>
        %parallel_loop3A_322 = arith.constant 0 : i32
        %parallel_loop3A_323 = arith.constant 0 : i32
        %parallel_loop3A_324 = tpu.memref_slice %arg7[%rem3A_117, %parallel_loop3A_192, %parallel_loop3A_322, %parallel_loop3A_323] : memref<2x2x128x64xf32, #tpu.memory_space<vmem>> -> memref<1x1x128x64xf32, #tpu.memory_space<vmem>>
        %parallel_loop3A_325 = tpu.memref_squeeze %parallel_loop3A_324 : memref<1x1x128x64xf32, #tpu.memory_space<vmem>> -> memref<128x64xf32, #tpu.memory_space<vmem>>
        %parallel_loop3A_326 = tpu.vector_load_idx %parallel_loop3A_325[%parallel_loop3A_321, %parallel_loop3A_203] : memref<128x64xf32, #tpu.memory_space<vmem>>[vector<16xi32>, vector<16xi32>], vector<16xf32>,
        %parallel_loop3A_327 = arith.constant 0 : i32
        %parallel_loop3A_328 = vector.broadcast %parallel_loop3A_327 : i32 to vector<16xi32>
        %parallel_loop3A_329 = arith.addf %parallel_loop3A_326, %parallel_loop3A_216 : vector<16xf32>
        %parallel_loop3A_330 = arith.constant 0 : i32
        %parallel_loop3A_331 = arith.constant 0 : i32
        %parallel_loop3A_332 = arith.constant 0 : i32
        %parallel_loop3A_333 = arith.constant 0 : i32
        %parallel_loop3A_334 = tpu.memref_slice %arg8[%rem3A_117, %parallel_loop3A_192, %parallel_loop3A_330, %parallel_loop3A_331, %parallel_loop3A_332, %parallel_loop3A_333] : memref<2x2x8x1x8x128xf32, #tpu.memory_space<vmem>> -> memref<1x1x8x1x8x128xf32, #tpu.memory_space<vmem>>
        %parallel_loop3A_335 = tpu.memref_squeeze %parallel_loop3A_334 : memref<1x1x8x1x8x128xf32, #tpu.memory_space<vmem>> -> memref<8x1x8x128xf32, #tpu.memory_space<vmem>>
        tpu.vector_store_idx %parallel_loop3A_335[%parallel_loop3A_206, %parallel_loop3A_328, %parallel_loop3A_209, %parallel_loop3A_321], %parallel_loop3A_329 : memref<8x1x8x128xf32, #tpu.memory_space<vmem>>[vector<16xi32>, vector<16xi32>, vector<16xi32>, vector<16xi32>], vector<16xf32>,
        %parallel_loop3A_336 = arith.constant 112 : i32
        %parallel_loop3A_337 = vector.broadcast %parallel_loop3A_336 : i32 to vector<16xi32>
        %parallel_loop3A_338 = arith.addi %iota3A, %parallel_loop3A_337 : vector<16xi32>
        %parallel_loop3A_339 = arith.constant 0 : i32
        %parallel_loop3A_340 = arith.constant 0 : i32
        %parallel_loop3A_341 = tpu.memref_slice %arg7[%rem3A_117, %parallel_loop3A_192, %parallel_loop3A_339, %parallel_loop3A_340] : memref<2x2x128x64xf32, #tpu.memory_space<vmem>> -> memref<1x1x128x64xf32, #tpu.memory_space<vmem>>
        %parallel_loop3A_342 = tpu.memref_squeeze %parallel_loop3A_341 : memref<1x1x128x64xf32, #tpu.memory_space<vmem>> -> memref<128x64xf32, #tpu.memory_space<vmem>>
        %parallel_loop3A_343 = tpu.vector_load_idx %parallel_loop3A_342[%parallel_loop3A_338, %parallel_loop3A_203] : memref<128x64xf32, #tpu.memory_space<vmem>>[vector<16xi32>, vector<16xi32>], vector<16xf32>,
        %parallel_loop3A_344 = arith.constant 0 : i32
        %parallel_loop3A_345 = vector.broadcast %parallel_loop3A_344 : i32 to vector<16xi32>
        %parallel_loop3A_346 = arith.addf %parallel_loop3A_343, %parallel_loop3A_216 : vector<16xf32>
        %parallel_loop3A_347 = arith.constant 0 : i32
        %parallel_loop3A_348 = arith.constant 0 : i32
        %parallel_loop3A_349 = arith.constant 0 : i32
        %parallel_loop3A_350 = arith.constant 0 : i32
        %parallel_loop3A_351 = tpu.memref_slice %arg8[%rem3A_117, %parallel_loop3A_192, %parallel_loop3A_347, %parallel_loop3A_348, %parallel_loop3A_349, %parallel_loop3A_350] : memref<2x2x8x1x8x128xf32, #tpu.memory_space<vmem>> -> memref<1x1x8x1x8x128xf32, #tpu.memory_space<vmem>>
        %parallel_loop3A_352 = tpu.memref_squeeze %parallel_loop3A_351 : memref<1x1x8x1x8x128xf32, #tpu.memory_space<vmem>> -> memref<8x1x8x128xf32, #tpu.memory_space<vmem>>
        tpu.vector_store_idx %parallel_loop3A_352[%parallel_loop3A_206, %parallel_loop3A_345, %parallel_loop3A_209, %parallel_loop3A_338], %parallel_loop3A_346 : memref<8x1x8x128xf32, #tpu.memory_space<vmem>>[vector<16xi32>, vector<16xi32>, vector<16xi32>, vector<16xi32>], vector<16xf32>,
      } {sc.loop_unroll_factor = 2 : i64, sc.parallel_access}
      %dma_start3A_166 = arith.constant 0 : i32
      %dma_start3A_167 = arith.constant 0 : i32
      %dma_start3A_168 = arith.constant 0 : i32
      %dma_start3A_169 = arith.constant 0 : i32
      %dma_start3A_170 = arith.constant 0 : i32
      %dma_start3A_171 = tpu.memref_slice %arg8[%rem3A_117, %dma_start3A_166, %dma_start3A_167, %dma_start3A_168, %dma_start3A_169, %dma_start3A_170] : memref<2x2x8x1x8x128xf32, #tpu.memory_space<vmem>> -> memref<1x2x8x1x8x128xf32, #tpu.memory_space<vmem>>
      %dma_start3A_172 = tpu.memref_squeeze %dma_start3A_171 : memref<1x2x8x1x8x128xf32, #tpu.memory_space<vmem>> -> memref<2x8x1x8x128xf32, #tpu.memory_space<vmem>>
      %dma_start3A_173 = arith.constant 0 : i32
      %dma_start3A_174 = arith.constant 0 : i32
      %dma_start3A_175 = arith.constant 0 : i32
      %dma_start3A_176 = tpu.memref_slice %arg5[%mul3A_120, %dma_start3A_173, %add3A, %dma_start3A_174, %dma_start3A_175] : memref<200x8x32x8x128xf32, #tpu.memory_space<hbm>> -> memref<2x8x1x8x128xf32, #tpu.memory_space<hbm>>
      %dma_start3A_177 = tpu.memref_slice %arg12[%rem3A_117] : memref<2x!tpu.dma_semaphore, #tpu.memory_space<semaphore_mem>> -> memref<1x!tpu.dma_semaphore, #tpu.memory_space<semaphore_mem>>
      %dma_start3A_178 = tpu.memref_squeeze %dma_start3A_177 : memref<1x!tpu.dma_semaphore, #tpu.memory_space<semaphore_mem>> -> memref<!tpu.dma_semaphore, #tpu.memory_space<semaphore_mem>>
      %dma_start3A_179 = arith.constant 0 : i32
      %dma_start3A_180 = arith.constant 0 : i32
      %dma_start3A_181 = arith.constant 0 : i32
      %dma_start3A_182 = tpu.memref_slice %arg5[%mul3A_120, %dma_start3A_179, %add3A, %dma_start3A_180, %dma_start3A_181] : memref<200x8x32x8x128xf32, #tpu.memory_space<hbm>> -> memref<2x8x1x8x128xf32, #tpu.memory_space<hbm>>
      %dma_start3A_183 = arith.constant 0 : i32
      %dma_start3A_184 = arith.constant 0 : i32
      %dma_start3A_185 = arith.constant 0 : i32
      %dma_start3A_186 = arith.constant 0 : i32
      %dma_start3A_187 = arith.constant 0 : i32
      %dma_start3A_188 = tpu.memref_slice %arg8[%rem3A_117, %dma_start3A_183, %dma_start3A_184, %dma_start3A_185, %dma_start3A_186, %dma_start3A_187] : memref<2x2x8x1x8x128xf32, #tpu.memory_space<vmem>> -> memref<1x2x8x1x8x128xf32, #tpu.memory_space<vmem>>
      %dma_start3A_189 = tpu.memref_squeeze %dma_start3A_188 : memref<1x2x8x1x8x128xf32, #tpu.memory_space<vmem>> -> memref<2x8x1x8x128xf32, #tpu.memory_space<vmem>>
      tpu.enqueue_dma source(%dma_start3A_189 : memref<2x8x1x8x128xf32, #tpu.memory_space<vmem>>) target(%dma_start3A_182 : memref<2x8x1x8x128xf32, #tpu.memory_space<hbm>>) target_semaphore(%dma_start3A_178 : memref<!tpu.dma_semaphore, #tpu.memory_space<semaphore_mem>>)
    }
    %scan3A_60 = arith.constant 100 : i32
    %dma_wait3A = arith.constant 0 : i32
    %dma_wait3A_61 = arith.constant 0 : i32
    %dma_wait3A_62 = arith.constant 0 : i32
    %dma_wait3A_63 = arith.constant 0 : i32
    %dma_wait3A_64 = arith.constant 0 : i32
    %dma_wait3A_65 = arith.constant 0 : i32
    %dma_wait3A_66 = arith.constant 0 : i32
    %dma_wait3A_67 = tpu.memref_slice %arg8[%dma_wait3A, %dma_wait3A_62, %dma_wait3A_63, %dma_wait3A_64, %dma_wait3A_65, %dma_wait3A_66] : memref<2x2x8x1x8x128xf32, #tpu.memory_space<vmem>> -> memref<1x2x8x1x8x128xf32, #tpu.memory_space<vmem>>
    %dma_wait3A_68 = tpu.memref_squeeze %dma_wait3A_67 : memref<1x2x8x1x8x128xf32, #tpu.memory_space<vmem>> -> memref<2x8x1x8x128xf32, #tpu.memory_space<vmem>>
    %dma_wait3A_69 = arith.constant 196 : i32
    %dma_wait3A_70 = arith.constant 0 : i32
    %dma_wait3A_71 = arith.constant 0 : i32
    %dma_wait3A_72 = arith.constant 0 : i32
    %dma_wait3A_73 = tpu.memref_slice %arg5[%dma_wait3A_69, %dma_wait3A_70, %add3A, %dma_wait3A_71, %dma_wait3A_72] : memref<200x8x32x8x128xf32, #tpu.memory_space<hbm>> -> memref<2x8x1x8x128xf32, #tpu.memory_space<hbm>>
    %dma_wait3A_74 = tpu.memref_slice %arg12[%dma_wait3A_61] : memref<2x!tpu.dma_semaphore, #tpu.memory_space<semaphore_mem>> -> memref<1x!tpu.dma_semaphore, #tpu.memory_space<semaphore_mem>>
    %dma_wait3A_75 = tpu.memref_squeeze %dma_wait3A_74 : memref<1x!tpu.dma_semaphore, #tpu.memory_space<semaphore_mem>> -> memref<!tpu.dma_semaphore, #tpu.memory_space<semaphore_mem>>
    %dma_wait3A_76 = arith.constant 196 : i32
    %dma_wait3A_77 = arith.constant 0 : i32
    %dma_wait3A_78 = arith.constant 0 : i32
    %dma_wait3A_79 = arith.constant 0 : i32
    %dma_wait3A_80 = tpu.memref_slice %arg5[%dma_wait3A_76, %dma_wait3A_77, %add3A, %dma_wait3A_78, %dma_wait3A_79] : memref<200x8x32x8x128xf32, #tpu.memory_space<hbm>> -> memref<2x8x1x8x128xf32, #tpu.memory_space<hbm>>
    %dma_wait3A_81 = arith.constant 0 : i32
    %dma_wait3A_82 = arith.constant 0 : i32
    %dma_wait3A_83 = arith.constant 0 : i32
    %dma_wait3A_84 = arith.constant 0 : i32
    %dma_wait3A_85 = arith.constant 0 : i32
    %dma_wait3A_86 = tpu.memref_slice %arg8[%dma_wait3A, %dma_wait3A_81, %dma_wait3A_82, %dma_wait3A_83, %dma_wait3A_84, %dma_wait3A_85] : memref<2x2x8x1x8x128xf32, #tpu.memory_space<vmem>> -> memref<1x2x8x1x8x128xf32, #tpu.memory_space<vmem>>
    %dma_wait3A_87 = tpu.memref_squeeze %dma_wait3A_86 : memref<1x2x8x1x8x128xf32, #tpu.memory_space<vmem>> -> memref<2x8x1x8x128xf32, #tpu.memory_space<vmem>>
    tpu.wait_dma2 semaphore(%dma_wait3A_75 : memref<!tpu.dma_semaphore, #tpu.memory_space<semaphore_mem>>) src(%dma_wait3A_87 : memref<2x8x1x8x128xf32, #tpu.memory_space<vmem>>) dst(%dma_wait3A_80 : memref<2x8x1x8x128xf32, #tpu.memory_space<hbm>>)
    %dma_wait3A_88 = arith.constant 1 : i32
    %dma_wait3A_89 = arith.constant 1 : i32
    %dma_wait3A_90 = arith.constant 0 : i32
    %dma_wait3A_91 = arith.constant 0 : i32
    %dma_wait3A_92 = arith.constant 0 : i32
    %dma_wait3A_93 = arith.constant 0 : i32
    %dma_wait3A_94 = arith.constant 0 : i32
    %dma_wait3A_95 = tpu.memref_slice %arg8[%dma_wait3A_88, %dma_wait3A_90, %dma_wait3A_91, %dma_wait3A_92, %dma_wait3A_93, %dma_wait3A_94] : memref<2x2x8x1x8x128xf32, #tpu.memory_space<vmem>> -> memref<1x2x8x1x8x128xf32, #tpu.memory_space<vmem>>
    %dma_wait3A_96 = tpu.memref_squeeze %dma_wait3A_95 : memref<1x2x8x1x8x128xf32, #tpu.memory_space<vmem>> -> memref<2x8x1x8x128xf32, #tpu.memory_space<vmem>>
    %dma_wait3A_97 = arith.constant 198 : i32
    %dma_wait3A_98 = arith.constant 0 : i32
    %dma_wait3A_99 = arith.constant 0 : i32
    %dma_wait3A_100 = arith.constant 0 : i32
    %dma_wait3A_101 = tpu.memref_slice %arg5[%dma_wait3A_97, %dma_wait3A_98, %add3A, %dma_wait3A_99, %dma_wait3A_100] : memref<200x8x32x8x128xf32, #tpu.memory_space<hbm>> -> memref<2x8x1x8x128xf32, #tpu.memory_space<hbm>>
    %dma_wait3A_102 = tpu.memref_slice %arg12[%dma_wait3A_89] : memref<2x!tpu.dma_semaphore, #tpu.memory_space<semaphore_mem>> -> memref<1x!tpu.dma_semaphore, #tpu.memory_space<semaphore_mem>>
    %dma_wait3A_103 = tpu.memref_squeeze %dma_wait3A_102 : memref<1x!tpu.dma_semaphore, #tpu.memory_space<semaphore_mem>> -> memref<!tpu.dma_semaphore, #tpu.memory_space<semaphore_mem>>
    %dma_wait3A_104 = arith.constant 198 : i32
    %dma_wait3A_105 = arith.constant 0 : i32
    %dma_wait3A_106 = arith.constant 0 : i32
    %dma_wait3A_107 = arith.constant 0 : i32
    %dma_wait3A_108 = tpu.memref_slice %arg5[%dma_wait3A_104, %dma_wait3A_105, %add3A, %dma_wait3A_106, %dma_wait3A_107] : memref<200x8x32x8x128xf32, #tpu.memory_space<hbm>> -> memref<2x8x1x8x128xf32, #tpu.memory_space<hbm>>
    %dma_wait3A_109 = arith.constant 0 : i32
    %dma_wait3A_110 = arith.constant 0 : i32
    %dma_wait3A_111 = arith.constant 0 : i32
    %dma_wait3A_112 = arith.constant 0 : i32
    %dma_wait3A_113 = arith.constant 0 : i32
    %dma_wait3A_114 = tpu.memref_slice %arg8[%dma_wait3A_88, %dma_wait3A_109, %dma_wait3A_110, %dma_wait3A_111, %dma_wait3A_112, %dma_wait3A_113] : memref<2x2x8x1x8x128xf32, #tpu.memory_space<vmem>> -> memref<1x2x8x1x8x128xf32, #tpu.memory_space<vmem>>
    %dma_wait3A_115 = tpu.memref_squeeze %dma_wait3A_114 : memref<1x2x8x1x8x128xf32, #tpu.memory_space<vmem>> -> memref<2x8x1x8x128xf32, #tpu.memory_space<vmem>>
    tpu.wait_dma2 semaphore(%dma_wait3A_103 : memref<!tpu.dma_semaphore, #tpu.memory_space<semaphore_mem>>) src(%dma_wait3A_115 : memref<2x8x1x8x128xf32, #tpu.memory_space<vmem>>) dst(%dma_wait3A_108 : memref<2x8x1x8x128xf32, #tpu.memory_space<hbm>>)
    return
  }
}

</mosaic_0001>

<sc_bundles>
// kernel: kernel.4.cloned.1.call-start
scs
__scs_entry_jumppad:
0x0: {  	(pc) =	sbr.rel $0x88, $3  }
0x1: {  	(tag) =	ssettag $0x0;
	lr =	simm.s32 $0x1  }
0x2: {  	[smem:$0x3F9E] =	sst lr;
	_ =	strace $0xD0000000  }
0x3: {  	_ = 	snop  }
0x4: {  	_ = 	snop  }
0x5: {  	_ = 	snop  }
0x6: {  	_ = 	snop  }
0x7: {  	_ = 	snop  }
__scs_overlays_trampoline_lowered:
0x8: {  	[smem:$0x3FAD] =	sst s0  }
0x9: {  	[smem:$0x3FAE] =	sst s1  }
0xa: {  	[smem:$0x3FAF] =	sst s2  }
0xb: {  	[smem:$0x3FB0] =	sst s3  }
0xc: {  	[smem:$0x3FB1] =	sst s4  }
0xd: {  	[smem:$0x3FB2] =	sst s5  }
0xe: {  	[smem:$0x3FB3] =	sst s6  }
0xf: {  	[smem:$0x3FB4] =	sst s7  }
0x10: {  	[smem:$0x3FB5] =	sst s8  }
0x11: {  	[smem:$0x3FB6] =	sst s9;
	s0 =	simm.s32 @!p0 $0x0  }
0x12: {  	s1 =	sld [smem:$0x3F9C];
	s0 =	simm.s32 @p0 $0x1  }
0x13: {  	[smem:$0x3FB7] =	sst s0;
	s0 =	simm.s32 @!p1 $0x0  }
0x14: {  	s2 =	sld [smem:$0x3F9B];
	s0 =	simm.s32 @p1 $0x1  }
0x15: {  	[smem:$0x3FB8] =	sst s0;
	s0 =	simm.s32 @!p2 $0x0  }
0x16: {  	s3 =	sld [smem:$0x3FDB];
	s0 =	simm.s32 @p2 $0x1  }
0x17: {  	s4 =	simm.s32 $0x1BF5;
	[smem:$0x3FBA] =	sst s0  }
0x18: {  	s0 =	sld [smem:$0x3F9D];
	_ =	swait.ge [sflag:s4], $0x0  }
0x19: {  	s7 =	sld [smem:$0x3F9E]  }
0x1a: {  	s8 =	sadd.s32 $0xFFFFE003, lr  }
0x1b: {  	s9 =	sadd.s32 $0xFFFFFEF7, lr;
	s5 =	simm.s32 $0xFFFFFFFF;
	p2 =	slt.u32 s8, $0xFFFFF086  }
0x1c: {  	p1 =	slt.u32 s9, $0xF7A;
	s5 =	simm.s32 @!p2 $0x0  }
0x1d: {  	s5 =	simm.s32 @p1 $0x1;
	p0 =	seq.s32 s7, s2  }
0x1e: {  	s7 =	smul.u32 @!p0 $0xF7A, s2;
	p2 =	seq.s32 @!p0 s5, $0x0  }
0x1f: {  	s9 =	smul.u32 $0xF7A, s1;
	s8 =	simm.s32 @!p0 $0x1BF5;
	p2 =	por !p2, p0  }
0x20: {  	[sflag:s8] =	ssyncset.s32 @!p0 $0xFFFFF086;
	s6 =	sadd.s32 @!p0 s3, s7;
	s7 =	simm.s32 @!p0 $0x108  }
0x21: {  	s3 =	sadd.s32 s3, s9;
	s6 =	sadd.s32 @!p0 $0x88, s6;
	s7 =	simm.s32 @p2 $0x1082  }
0x22: {  	[simem:s7], [sflag:s8] =	dma.local @!p0 [hbm:s6], $0xF7A  }
0x23: {  	s9 =	sor.u32 $0xD0000000, s2;
	s6 =	simm.s32 $0x108;
	_ =	swait.ge @!p0 [sflag:s8], $0x0  }
0x24: {  	s3 =	sadd.s32 $0x88, s3;
	s6 =	simm.s32 @!p1 $0x1082;
	[sflag:s4] =	ssyncset.s32 $0xFFFFF086  }
0x25: {  	[simem:s6], [sflag:s4] =	dma.local [hbm:s3], $0xF7A  }
0x26: {  	[smem:$0x3F9E] =	sst s1;
	(tag) =	ssettag s2;
	_ =	strace s9  }
0x27: {  	s1 =	sld [smem:$0x3FAE]  }
0x28: {  	s2 =	sld [smem:$0x3FAF]  }
0x29: {  	s4 =	sld [smem:$0x3FB1]  }
0x2a: {  	p0 =	seq.s32 s5, $0x0;
	s5 =	sld [smem:$0x3FB2]  }
0x2b: {  	s6 =	sld [smem:$0x3FB3]  }
0x2c: {  	s7 =	sld [smem:$0x3FB4]  }
0x2d: {  	s3 =	simm.s32 $0x108;
	s8 =	sld [smem:$0x3FB5]  }
0x2e: {  	s3 =	simm.s32 @!p0 $0x1082;
	s9 =	sld [smem:$0x3FB6]  }
0x2f: {  	lr =	sadd.s32 s0, s3;
	s0 =	sld [smem:$0x3FAD]  }
0x30: {  	s3 =	sld [smem:$0x3FB0]  }
0x31: {  	[smem:$0x3FB9] =	sst s10  }
0x32: {  	s10 =	sld [smem:$0x3FB7];
	_ =	sdelay $0x3  }
0x33: {  	p0 =	seq.s32 s10, $0x1;
	s10 =	sld [smem:$0x3FB9];
	_ =	sdelay $0x3  }
0x34: {  	[smem:$0x3FB9] =	sst s10  }
0x35: {  	s10 =	sld [smem:$0x3FB8];
	_ =	sdelay $0x3  }
0x36: {  	p1 =	seq.s32 s10, $0x1;
	s10 =	sld [smem:$0x3FB9];
	_ =	sdelay $0x3  }
0x37: {  	[smem:$0x3FB9] =	sst s10  }
0x38: {  	s10 =	sld [smem:$0x3FBA]  }
0x39: {  	_ = 	snop;
	(pc) =	sbr.ind lr, $3  }
0x3a: {  	_ = 	snop  }
0x3b: {  	_ = 	snop  }
0x3c: {  	p2 =	seq.s32 s10, $0x1;
	s10 =	sld [smem:$0x3FB9]  }
0x3d: {  	_ =	shalt  }
0x3e: {  	_ =	shalt  }
0x3f: {  	_ =	shalt  }
0x40: {  	_ =	shalt  }
0x41: {  	_ =	shalt  }
0x42: {  	_ =	shalt  }
0x43: {  	_ =	shalt  }
0x44: {  	_ =	shalt  }
0x45: {  	_ =	shalt  }
0x46: {  	_ =	shalt  }
0x47: {  	_ =	shalt  }
0x48: {  	_ =	shalt  }
0x49: {  	_ =	shalt  }
0x4a: {  	_ =	shalt  }
0x4b: {  	_ =	shalt  }
0x4c: {  	_ =	shalt  }
0x4d: {  	_ =	shalt  }
0x4e: {  	_ =	shalt  }
0x4f: {  	_ =	shalt  }
0x50: {  	_ =	shalt  }
0x51: {  	_ =	shalt  }
0x52: {  	_ =	shalt  }
0x53: {  	_ =	shalt  }
0x54: {  	_ =	shalt  }
0x55: {  	_ =	shalt  }
0x56: {  	_ =	shalt  }
0x57: {  	_ =	shalt  }
0x58: {  	_ =	shalt  }
0x59: {  	_ =	shalt  }
0x5a: {  	_ =	shalt  }
0x5b: {  	_ =	shalt  }
0x5c: {  	_ =	shalt  }
0x5d: {  	_ =	shalt  }
0x5e: {  	_ =	shalt  }
0x5f: {  	_ =	shalt  }
0x60: {  	_ =	shalt  }
0x61: {  	_ =	shalt  }
0x62: {  	_ =	shalt  }
0x63: {  	_ =	shalt  }
0x64: {  	_ =	shalt  }
0x65: {  	_ =	shalt  }
0x66: {  	_ =	shalt  }
0x67: {  	_ =	shalt  }
0x68: {  	_ =	shalt  }
0x69: {  	_ =	shalt  }
0x6a: {  	_ =	shalt  }
0x6b: {  	_ =	shalt  }
0x6c: {  	_ =	shalt  }
0x6d: {  	_ =	shalt  }
0x6e: {  	_ =	shalt  }
0x6f: {  	_ =	shalt  }
0x70: {  	_ =	shalt  }
0x71: {  	_ =	shalt  }
0x72: {  	_ =	shalt  }
0x73: {  	_ =	shalt  }
0x74: {  	_ =	shalt  }
0x75: {  	_ =	shalt  }
0x76: {  	_ =	shalt  }
0x77: {  	_ =	shalt  }
0x78: {  	_ =	shalt  }
0x79: {  	_ =	shalt  }
0x7a: {  	_ =	shalt  }
0x7b: {  	_ =	shalt  }
0x7c: {  	_ =	shalt  }
0x7d: {  	_ =	shalt  }
0x7e: {  	_ =	shalt  }
0x7f: {  	_ =	shalt  }
0x80: {  	_ =	shalt  }
0x81: {  	_ =	shalt  }
0x82: {  	_ =	shalt  }
0x83: {  	_ =	shalt  }
0x84: {  	_ =	shalt  }
0x85: {  	_ =	shalt  }
0x86: {  	_ =	shalt  }
0x87: {  	_ =	shalt  }
.Lfunc_end0:
.L_simem_size_0:
called_computation_lowered:
.L_overlay_start_0:
0x88: {  	s2 =	sld [smem:$0x3FD9]  }
0x89: {  	s3 =	sld [smem:$0x3FFE];
	_ =	sdelay $0x1  }
0x8a: {  	s1 =	srdreg.scid  }
0x8b: {  	s0 =	sand.u32 $0x1, s1  }
0x8c: {  	s17 =	sshll.u32 s0, $0xA;
	s2 =	sadd.s32 s3, s2  }
0x8d: {  	s2 =	sadd.s32 s2, s17  }
0x8e: {  	[smem:$0x3FC5] =	sst s2  }
0x8f: {  	_ = 	snop  }
0x90: {  	s2 =	sld [smem:$0x3FC8];
	(tm) =	ssettm $0x1  }
0x91: {  	s18 =	sld [smem:$0x3FFB];
	_ =	sdelay $0x3  }
0x92: {  	_ =	strace s18  }
0x93: {  	s3 =	sld [smem:$0x3FFC];
	_ =	sdelay $0x3  }
0x94: {  	_ =	strace s3  }
0x95: {  	s3 =	sld [smem:$0x3FFD];
	_ =	sdelay $0x3  }
0x96: {  	_ =	strace s3  }
0x97: {  	_ =	strace $0x8FFFFFFF  }
0x98: {  	s19 =	sld [smem:$0x3FDB];
	_ =	sdelay $0x1  }
0x99: {  	s4 =	simm.s32 $_scs_section_size  }
0x9a: {  	s5 =	simm.s32 $_size__tile_overlayer_lowered;
	s6 =	simm.s32 $_tile_overlayer_lowered  }
0x9b: {  	s22 =	simm.s32 $0x1BFF;
	s21 =	sshll.u32 s6, $0x1;
	s3 =	sadd.s32 s4, s19  }
0x9c: {  	s7 =	simm.s32 $0x0;
	s20 =	sshll.u32 s5, $0x1;
	s5 =	sadd.s32 s21, s3  }
0x9d: {  	[timem:s7], [sflag:s22] =	dma.local [hbm:s5], s20  }
0x9e: {  	_ =	swait.ge [sflag:s22], s20  }
0x9f: {  	s4 =	ssub.s32 $0x0, s20;
	[sflag:s22] =	ssyncset.done $0x0  }
0xa0: {  	[sflag:s22] =	ssyncadd.s32 s4;
	_ =	sdelay $0x1  }
0xa1: {  	s23 =	simm.s32 $0x1B8B  }
0xa2: {  	_ =	swait.ge [sflag:s23], $0x1  }
0xa3: {  	[sflag:s23] =	ssyncset.done $0x0  }
0xa4: {  	s25 =	simm.s32 $0x1B8E;
	s24 =	sld [smem:$0x3FFE];
	[sflag:s23] =	ssyncadd.s32 $0xFFFFFFFF  }
0xa5: {  	s26 =	simm.s32 $execute0_lowered;
	[smem:$0x3FD2] =	sst s25  }
0xa6: {  	s5 =	sshll.u32 s26, $0x1;
	_ =	strace $0x80000046;
	[dreg:$0x1] =	wrdreg $0xFFFFFFFF  }
0xa7: {  	s28 =	simm.s32 $_size_execute0_lowered;
	s3 =	sadd.s32 s3, s5;
	[dreg:$0x0] =	wrdreg $0x0  }
0xa8: {  	s5 =	sshll.u32 s28, $0x1;
	[dreg:$0x2] =	wrdreg s3  }
0xa9: {  	[dreg:$0x3] =	wrdreg s5  }
0xaa: {  	[dreg:$0x4] =	wrdreg $0xC0  }
0xab: {  	_ =	task [dreg:s7], $0x5FFFF  }
0xac: {  	[dreg:$0x1] =	wrdreg $0xFFFFFFFF  }
0xad: {  	[dreg:$0x0] =	wrdreg $0x60  }
0xae: {  	[dreg:$0x2] =	wrdreg s2  }
0xaf: {  	[dreg:$0x3] =	wrdreg s24  }
0xb0: {  	[dreg:$0x4] =	wrdreg $0x9  }
0xb1: {  	_ =	task.clear_ibuf [dreg:s7], $0x5FFFF;
	_ =	strace $0x90000046  }
0xb2: {  	s29 =	simm.s32 $0x9;
	_ =	strace $0x80000048  }
0xb3: {  	_ =	swait.ge [sflag:s29], $0x1  }
0xb4: {  	[sflag:s29] =	ssyncadd.s32 $0xFFFFFFFF  }
0xb5: {  	_ =	strace $0x90000048  }
0xb6: {  	_ =	sfence  }
0xb7: {  	s30 =	sld [smem:$0x0];
	_ =	sdelay $0x2  }
0xb8: {  	s31 =	sshll.u32 s1, $0xD;
	s1 =	sshrl.u32 s1, $0x2  }
0xb9: {  	s3 =	sand.u32 $0x4000, s31;
	s1 =	sadd.s32 s1, s30  }
0xba: {  	s0 =	sor.u32 s3, s0;
	s1 =	sshll.u32 s1, $0x11  }
0xbb: {  	s0 =	sor.u32 s1, s0  }
0xbc: {  	s0 =	sadd.s32 $0x8F2B, s0  }
0xbd: {  	[sflag:s0] =	ssyncadd.remote.s32 $0x1  }
0xbe: {  	_ =	sfence.sel $0xFFFF  }
0xbf: {  	[dreg:$0x0] =	wrdreg $0xFFFFFFFF;
	(pc) =	sbr.abs _section_cstart, $3  }
0xc0: {  	[dreg:$0x1] =	wrdreg $0xFFFFFFFF  }
0xc1: {  	_ =	task.clear_ibuf [dreg:s7], $0x2FFFF;
	_ =	strace $0x9FFFFFFF  }
0xc2: {  	(tm) =	ssettm $0x7FFFFFFF  }
0xc3: {  	_ =	shalt  }
tec
execute0_lowered:
.L_overlay_start_1:
0x0: {  	(tag) =	ssettag $0x1  }
0x1: {  	s2 =	rddreg [dreg:$0x0]  }
0x2: {  	s5 =	rddreg [dreg:$0x1]  }
0x3: {  	s0 =	rddreg [dreg:$0x2];
	s4 =	srdreg.scid  }
0x4: {  	s1 =	stileid.u32;
	s3 =	simm.s32 $0x0;
	s11 =	simm.s32 $0x7A1400  }
0x5: {  	s12 =	simm.s32 $0x0;
	s6 =	sand.u32 $0x1, s4;
	s30 =	sshll.u32 s1, $0x1  }
0x6: {  	v0 =	vlaneseq.u32;
	[smem:$0x7FF] =	sst s3;
	s5 =	sadd.s32 $0xA00, s5;
	s4 =	sor.u32 s6, s30  }
.Ltmp0:
0x7: {  	v1 =	vmul.u32 $0x40, v0;
	v2 =	vor.u32 $0x10, v0;
	v4 =	vor.u32 $0x20, v0;
	s6 =	ssub.s32 $0x2, s6;
	s7 =	ssub.s32 $0x4, s4;
	(pc) =	sbr.rel .LBB2_1-.Ltmp0, $4  }
0x8: {  	v6 =	vor.u32 $0x30, v0;
	v8 =	vor.u32 $0x40, v0;
	v10 =	vor.u32 $0x50, v0;
	_ =	strace $0x80000047;
	s8 =	sshrl.u32 s6, $0x1;
	s7 =	sshrl.u32 s7, $0x5  }
0x9: {  	v12 =	vor.u32 $0x60, v0;
	v14 =	vor.u32 $0x70, v0;
	v3 =	vor.u32 $0x400, v1;
	s9 =	sshll.u32 s4, $0x7;
	s10 =	ssub.s32 s6, s8;
	s7 =	sand.u32 $0x1, s7  }
0xa: {  	v5 =	vor.u32 $0x800, v1;
	v7 =	vor.u32 $0xC00, v1;
	v9 =	vor.u32 $0x1000, v1;
	s6 =	sadd.s32 s2, s9;
	s9 =	smax.u32 s10, $0x1;
	s31 =	sxor.u32 $0x1, s7  }
0xb: {  	v11 =	vor.u32 $0x1400, v1;
	v13 =	vor.u32 $0x1800, v1;
	v15 =	vor.u32 $0x1C00, v1;
	s10 =	simm.s32 $0x400;
	s7 =	sadd.s32 $0x3, s7;
	s8 =	sadd.s32 $0x3, s31  }
.LBB2_7:
0xc: {  	s12 =	sadd.s32 $0x1, s12  }
0xd: {  	_ =	swait.ge [sflag:s7], $0x2000;
	p0 =	sne.s32 s12, s9  }
.Ltmp1:
0xe: {  	[sflag:s7] =	ssyncset.done $0x0;
	(pc) =	sbr.rel @!p0 .LBB2_8-.Ltmp1, $4  }
0xf: {  	[sflag:s7] =	ssyncadd.s32 $0xFFFFE000  }
0x10: {  	_ =	swait.ge [sflag:s8], $0x2000  }
0x11: {  	[sflag:s8] =	ssyncset.done $0x0  }
0x12: {  	[sflag:s8] =	ssyncadd.s32 $0xFFFFE000  }
.LBB2_1:
.Ltmp2:
0x13: {  	(pc) =	sbr.rel .LBB2_2-.Ltmp2, $3  }
0x14: {  	_ =	sdelay $0x1  }
0x15: {  	[tilespmem:s3], [sflag:$0x1] =	stream.strided.gather [hbm4b:s6+s10], $0x2000, s11, s10, $0x38;
	[tilespmem:$0x8000] =	vst v63  }
0x16: {  	s16 =	simm.s32 $0x0  }
.LBB2_6:
0x17: {  	p0 =	sne.s32 s13, $0xF5  }
.Ltmp3:
0x18: {  	_ = 	snop;
	(pc) =	sbr.rel @!p0 .LBB2_7-.Ltmp3, $2  }
0x19: {  	_ =	sdelay $0x2  }
0x1a: {  	s16 =	smov.u32 s13  }
.LBB2_2:
0x1b: {  	s13 =	sadd.s32 $0x1, s16  }
0x1c: {  	s14 =	sshll.u32 s13, $0x5  }
0x1d: {  	s17 =	sor.u32 s4, s14  }
0x1e: {  	s15 =	sshll.u32 s16, $0x5;
	s14 =	sand.u32 $0x1, s16;
	p0 =	sgt.u32 s17, $0x1E84  }
0x1f: {  	s15 =	sor.u32 s4, s15;
	s18 =	sxor.u32 @!p0 $0x1, s14  }
0x20: {  	s17 =	sshll.u32 @!p0 s17, $0x7;
	s20 =	simm.s32 @!p0 $0x400;
	s21 =	simm.s32 @!p0 $0x7A1400  }
0x21: {  	s19 =	sshll.u32 @!p0 s18, $0xD;
	s18 =	sadd.s32 @!p0 $0x1, s18;
	s17 =	sadd.s32 @!p0 s2, s17  }
0x22: {  	[tilespmem:s19], [sflag:s18] =	stream.strided.gather @!p0 [hbm4b:s17+s20], $0x2000, s21, s20, $0x38;
	[tilespmem:$0x8000] =	vst v63  }
0x23: {  	p0 =	sgt.u32 s15, $0x1E84  }
.Ltmp4:
0x24: {  	_ = 	snop;
	(pc) =	sbr.rel @p0 .LBB2_6-.Ltmp4, $1  }
0x25: {  	_ =	sdelay $0x3  }
0x26: {  	s17 =	simm.s32 $0x1  }
0x27: {  	s18 =	simm.s32 $0x0;
	v16 =	vadd.s32 s17, v0  }
0x28: {  	v17 =	vadd.s32 s18, v0;
	s22 =	sand.u32 $0x30, s18;
	v16 =	vand.u32 $0xF, v16  }
0x29: {  	s23 =	sadd.s32 $0x1, s14;
	v17 =	vand.u32 $0xF, v17;
	v28 =	vor.u32 s22, v16  }
0x2a: {  	_ =	swait.ge [sflag:s23], $0x2000;
	v31 =	vor.u32 s22, v17;
	v29 =	vshll.u32 v28, $0x7  }
0x2b: {  	p0 =	slt.u32 s16, $0x2;
	[sflag:s23] =	ssyncset.done $0x0;
	v30 =	vshll.u32 v31, $0x7;
	v16 =	vor.u32 v0, v29  }
0x2c: {  	s16 =	sadd.s32 @!p0 $0x3, s14;
	[sflag:s23] =	ssyncadd.s32 $0xFFFFE000;
	v17 =	vor.u32 v0, v30  }
0x2d: {  	_ =	swait.ge @!p0 [sflag:s16], $0x2000  }
0x2e: {  	[sflag:s16] =	ssyncset.done @!p0 $0x0  }
0x2f: {  	s17 =	sshll.u32 s14, $0xD;
	[sflag:s16] =	ssyncadd.s32 @!p0 $0xFFFFE000  }
0x30: {  	v18 =	vor.u32 v1, v28;
	v16 =	vld.idx.msk [tilespmem:v16+s17+$0x0], $0xffff  }
0x31: {  	v19 =	vor.u32 v1, v31;
	v20 =	vor.u32 v2, v29;
	v17 =	vld.idx.msk [tilespmem:v17+s17+$0x0], $0xffff  }
0x32: {  	v21 =	vor.u32 v2, v30;
	_ =	sdelay $0x1  }
0x33: {  	s16 =	sor.u32 $0x4000, s17  }
0x34: {  	[tilespmem:v18+s16+$0x0] =	vst.idx.msk $0xffff, v16  }
0x35: {  	s24 =	simm.s32 $0x3;
	v23 =	vor.u32 v3, v28;
	[tilespmem:v19+s16+$0x0] =	vst.idx.msk $0xffff, v17;
	v20 =	vld.idx.msk [tilespmem:v20+s17+$0x0], $0xffff  }
0x36: {  	s19 =	simm.s32 $0x2;
	v22 =	vor.u32 v3, v31;
	v24 =	vor.u32 v4, v29;
	v16 =	vadd.s32 s24, v0;
	v21 =	vld.idx.msk [tilespmem:v21+s17+$0x0], $0xffff  }
0x37: {  	s25 =	sand.u32 $0x30, s19;
	v25 =	vor.u32 v4, v30;
	v17 =	vadd.s32 s19, v0;
	v16 =	vand.u32 $0xF, v16  }
0x38: {  	v18 =	vand.u32 $0xF, v17;
	v17 =	vor.u32 s25, v16  }
0x39: {  	v16 =	vor.u32 s25, v18;
	v19 =	vshll.u32 v17, $0x7  }
0x3a: {  	v18 =	vshll.u32 v16, $0x7;
	v26 =	vor.u32 v0, v19;
	[tilespmem:v23+s16+$0x0] =	vst.idx.msk $0xffff, v20  }
0x3b: {  	v20 =	vor.u32 v0, v18;
	[tilespmem:v22+s16+$0x0] =	vst.idx.msk $0xffff, v21;
	v22 =	vor.u32 v5, v28;
	v21 =	vld.idx.msk [tilespmem:v24+s17+$0x0], $0xffff  }
0x3c: {  	v23 =	vld.idx.msk [tilespmem:v25+s17+$0x0], $0xffff;
	v24 =	vor.u32 v5, v31;
	v25 =	vor.u32 v6, v29  }
0x3d: {  	v27 =	vor.u32 v6, v30  }
0x3e: {  	v50 =	vor.u32 v11, v31  }
0x3f: {  	v36 =	vor.u32 v11, v28;
	v53 =	vor.u32 v9, v28;
	v32 =	vor.u32 v1, v17;
	v26 =	vld.idx.msk [tilespmem:v26+s17+$0x0], $0xffff  }
0x40: {  	v33 =	vor.u32 v1, v16;
	v34 =	vor.u32 v2, v19;
	v20 =	vld.idx.msk [tilespmem:v20+s17+$0x0], $0xffff;
	[tilespmem:v22+s16+$0x0] =	vst.idx.msk $0xffff, v21  }
0x41: {  	v21 =	vor.u32 v2, v18;
	[tilespmem:v24+s16+$0x0] =	vst.idx.msk $0xffff, v23;
	v23 =	vor.u32 v7, v28;
	v22 =	vld.idx.msk [tilespmem:v25+s17+$0x0], $0xffff  }
0x42: {  	v55 =	vor.u32 v9, v31;
	v24 =	vld.idx.msk [tilespmem:v27+s17+$0x0], $0xffff;
	v25 =	vor.u32 v7, v31;
	v27 =	vor.u32 v8, v29  }
0x43: {  	v35 =	vor.u32 v8, v30;
	v54 =	vor.u32 v10, v29;
	v42 =	vor.u32 v10, v30  }
0x44: {  	v44 =	vor.u32 v12, v30;
	v45 =	vor.u32 v12, v29;
	[tilespmem:v32+s16+$0x0] =	vst.idx.msk $0xffff, v26  }
0x45: {  	s26 =	simm.s32 $0x5;
	v38 =	vor.u32 v3, v17;
	v39 =	vor.u32 v3, v16;
	v26 =	vld.idx.msk [tilespmem:v34+s17+$0x0], $0xffff;
	[tilespmem:v33+s16+$0x0] =	vst.idx.msk $0xffff, v20  }
0x46: {  	s28 =	simm.s32 $0x4;
	v40 =	vor.u32 v4, v19;
	v20 =	vadd.s32 s26, v0;
	v37 =	vld.idx.msk [tilespmem:v21+s17+$0x0], $0xffff;
	[tilespmem:v23+s16+$0x0] =	vst.idx.msk $0xffff, v22  }
0x47: {  	s29 =	sand.u32 $0x30, s28;
	v41 =	vor.u32 v4, v18;
	v21 =	vadd.s32 s28, v0;
	v20 =	vand.u32 $0xF, v20;
	[tilespmem:v25+s16+$0x0] =	vst.idx.msk $0xffff, v24;
	v25 =	vld.idx.msk [tilespmem:v27+s17+$0x0], $0xffff  }
0x48: {  	v58 =	vor.u32 v5, v17;
	v21 =	vand.u32 $0xF, v21;
	v20 =	vor.u32 s29, v20;
	v27 =	vld.idx.msk [tilespmem:v35+s17+$0x0], $0xffff  }
0x49: {  	v60 =	vor.u32 v5, v16;
	v21 =	vor.u32 s29, v21;
	v23 =	vshll.u32 v20, $0x7  }
0x4a: {  	v52 =	vor.u32 v7, v16;
	v22 =	vshll.u32 v21, $0x7;
	[tilespmem:v38+s16+$0x0] =	vst.idx.msk $0xffff, v26;
	v56 =	vor.u32 v0, v23  }
0x4b: {  	v61 =	vor.u32 v6, v19;
	v43 =	vor.u32 v0, v22;
	v57 =	vld.idx.msk [tilespmem:v40+s17+$0x0], $0xffff;
	[tilespmem:v39+s16+$0x0] =	vst.idx.msk $0xffff, v37  }
0x4c: {  	v62 =	vor.u32 v6, v18;
	v48 =	vor.u32 v10, v19;
	v59 =	vld.idx.msk [tilespmem:v41+s17+$0x0], $0xffff;
	[tilespmem:v53+s16+$0x0] =	vst.idx.msk $0xffff, v25  }
0x4d: {  	v29 =	vor.u32 v14, v29;
	v32 =	vor.u32 v13, v31;
	[tilespmem:v55+s16+$0x0] =	vst.idx.msk $0xffff, v27;
	v34 =	vld.idx.msk [tilespmem:v54+s17+$0x0], $0xffff  }
0x4e: {  	v24 =	vor.u32 v11, v16;
	v47 =	vor.u32 v1, v20;
	v26 =	vor.u32 v11, v17;
	v42 =	vld.idx.msk [tilespmem:v42+s17+$0x0], $0xffff  }
0x4f: {  	v46 =	vor.u32 v1, v21;
	v51 =	vor.u32 v2, v23;
	v49 =	vor.u32 v4, v23;
	v38 =	vld.idx.msk [tilespmem:v56+s17+$0x0], $0xffff  }
0x50: {  	v63 =	vor.u32 v2, v22;
	v41 =	vor.u32 v5, v21;
	v43 =	vld.idx.msk [tilespmem:v43+s17+$0x0], $0xffff;
	[tilespmem:v58+s16+$0x0] =	vst.idx.msk $0xffff, v57  }
0x51: {  	v25 =	vor.u32 v11, v21;
	v53 =	vor.u32 v7, v17;
	v33 =	vld.idx.msk [tilespmem:v61+s17+$0x0], $0xffff;
	[tilespmem:v60+s16+$0x0] =	vst.idx.msk $0xffff, v59  }
0x52: {  	v27 =	vor.u32 v11, v20;
	v55 =	vor.u32 v8, v19;
	v35 =	vld.idx.msk [tilespmem:v62+s17+$0x0], $0xffff;
	[tilespmem:v36+s16+$0x0] =	vst.idx.msk $0xffff, v34  }
0x53: {  	v54 =	vor.u32 v8, v18;
	v56 =	vor.u32 v13, v28;
	[tilespmem:v50+s16+$0x0] =	vst.idx.msk $0xffff, v42;
	v45 =	vld.idx.msk [tilespmem:v45+s17+$0x0], $0xffff  }
0x54: {  	v28 =	vor.u32 v15, v28;
	v57 =	vor.u32 v14, v30;
	[tilespmem:v47+s16+$0x0] =	vst.idx.msk $0xffff, v38;
	v30 =	vld.idx.msk [tilespmem:v44+s17+$0x0], $0xffff  }
0x55: {  	v58 =	vor.u32 v9, v17;
	v60 =	vor.u32 v3, v20;
	[tilespmem:v46+s16+$0x0] =	vst.idx.msk $0xffff, v43;
	v39 =	vld.idx.msk [tilespmem:v51+s17+$0x0], $0xffff  }
0x56: {  	v61 =	vor.u32 v4, v22;
	v59 =	vor.u32 v3, v21;
	v37 =	vld.idx.msk [tilespmem:v63+s17+$0x0], $0xffff;
	[tilespmem:v53+s16+$0x0] =	vst.idx.msk $0xffff, v33  }
0x57: {  	s31 =	simm.s32 $0x7;
	v34 =	vor.u32 v10, v18;
	v36 =	vor.u32 v15, v31;
	v50 =	vld.idx.msk [tilespmem:v55+s17+$0x0], $0xffff;
	[tilespmem:v52+s16+$0x0] =	vst.idx.msk $0xffff, v35  }
0x58: {  	s30 =	simm.s32 $0x6;
	v51 =	vor.u32 v9, v16;
	v63 =	vadd.s32 s31, v0;
	v52 =	vld.idx.msk [tilespmem:v54+s17+$0x0], $0xffff;
	[tilespmem:v56+s16+$0x0] =	vst.idx.msk $0xffff, v45  }
0x59: {  	s18 =	sand.u32 $0x30, s30;
	v62 =	vadd.s32 s30, v0;
	v42 =	vor.u32 v6, v22;
	v35 =	vand.u32 $0xF, v63;
	[tilespmem:v32+s16+$0x0] =	vst.idx.msk $0xffff, v30;
	v38 =	vld.idx.msk [tilespmem:v29+s17+$0x0], $0xffff  }
0x5a: {  	v43 =	vor.u32 v5, v20;
	v33 =	vand.u32 $0xF, v62;
	v30 =	vor.u32 s18, v35;
	[tilespmem:v60+s16+$0x0] =	vst.idx.msk $0xffff, v39;
	v35 =	vld.idx.msk [tilespmem:v57+s17+$0x0], $0xffff  }
0x5b: {  	v44 =	vor.u32 v6, v23;
	v29 =	vor.u32 s18, v33;
	v31 =	vshll.u32 v30, $0x7;
	[tilespmem:v59+s16+$0x0] =	vst.idx.msk $0xffff, v37;
	v40 =	vld.idx.msk [tilespmem:v49+s17+$0x0], $0xffff  }
0x5c: {  	v32 =	vshll.u32 v29, $0x7;
	v46 =	vor.u32 v0, v31;
	v39 =	vld.idx.msk [tilespmem:v61+s17+$0x0], $0xffff;
	[tilespmem:v58+s16+$0x0] =	vst.idx.msk $0xffff, v50  }
0x5d: {  	s18 =	simm.s32 $0x8;
	v33 =	vor.u32 v11, v29;
	v45 =	vor.u32 v0, v32;
	v37 =	vld.idx.msk [tilespmem:v48+s17+$0x0], $0xffff;
	[tilespmem:v51+s16+$0x0] =	vst.idx.msk $0xffff, v52  }
.LBB2_4:
0x5e: {  	v47 =	vor.u32 v11, v30;
	[tilespmem:v28+s16+$0x0] =	vst.idx.msk $0xffff, v38;
	v48 =	vmov v29;
	v28 =	vmov v17  }
0x5f: {  	p0 =	slt.u32 s18, $0x3E;
	v34 =	vld.idx.msk [tilespmem:v34+s17+$0x0], $0xffff;
	v17 =	vmovc v20;
	v20 =	vmovc v30;
	v29 =	vmov v18;
	v18 =	vmov v22;
	v22 =	vmov v32;
	s19 =	smov.u32 s18;
	s18 =	sadd.s32 $0x2, s18  }
0x60: {  	v32 =	vor.u32 v12, v19;
	v30 =	vor.u32 v12, v29;
	[tilespmem:v36+s16+$0x0] =	vst.idx.msk $0xffff, v35;
	v35 =	vmov v24  }
0x61: {  	v24 =	vmovc v25;
	v25 =	vmovc v33;
	v33 =	vmov v19;
	v19 =	vmov v23;
	v23 =	vmov v31;
	v36 =	vld.idx.msk [tilespmem:v46+s17+$0x0], $0xffff  }
0x62: {  	v38 =	vor.u32 v1, v48;
	v31 =	vld.idx.msk [tilespmem:v45+s17+$0x0], $0xffff;
	v45 =	vor.u32 v1, v20;
	[tilespmem:v43+s16+$0x0] =	vst.idx.msk $0xffff, v40  }
0x63: {  	v40 =	vor.u32 v2, v22;
	v43 =	vor.u32 v2, v23;
	[tilespmem:v41+s16+$0x0] =	vst.idx.msk $0xffff, v39;
	v39 =	vld.idx.msk [tilespmem:v44+s17+$0x0], $0xffff  }
0x64: {  	v44 =	vor.u32 v7, v17;
	v41 =	vld.idx.msk [tilespmem:v42+s17+$0x0], $0xffff;
	v42 =	vor.u32 v7, v21;
	[tilespmem:v26+s16+$0x0] =	vst.idx.msk $0xffff, v37  }
0x65: {  	v46 =	vor.u32 v8, v19;
	v37 =	vor.u32 v8, v18;
	[tilespmem:v35+s16+$0x0] =	vst.idx.msk $0xffff, v34;
	v32 =	vld.idx.msk [tilespmem:v32+s17+$0x0], $0xffff  }
0x66: {  	v35 =	vor.u32 v13, v16;
	v34 =	vor.u32 v13, v28;
	v28 =	vor.u32 v15, v28;
	v30 =	vld.idx.msk [tilespmem:v30+s17+$0x0], $0xffff  }
0x67: {  	v26 =	vmov v27;
	[tilespmem:v45+s16+$0x0] =	vst.idx.msk $0xffff, v36;
	v36 =	vor.u32 v14, v29;
	v29 =	vor.u32 v14, v33  }
0x68: {  	v49 =	vor.u32 v9, v17;
	v50 =	vor.u32 v10, v19;
	[tilespmem:v38+s16+$0x0] =	vst.idx.msk $0xffff, v31;
	v43 =	vld.idx.msk [tilespmem:v43+s17+$0x0], $0xffff  }
0x69: {  	v51 =	vor.u32 v3, v48;
	v45 =	vor.u32 v3, v20;
	v40 =	vld.idx.msk [tilespmem:v40+s17+$0x0], $0xffff;
	[tilespmem:v44+s16+$0x0] =	vst.idx.msk $0xffff, v39  }
0x6a: {  	s20 =	sadd.s32 $0x1, s19;
	v39 =	vor.u32 v4, v22;
	v44 =	vor.u32 v4, v23;
	[tilespmem:v42+s16+$0x0] =	vst.idx.msk $0xffff, v41;
	v42 =	vld.idx.msk [tilespmem:v46+s17+$0x0], $0xffff  }
0x6b: {  	v52 =	vor.u32 v9, v21;
	v33 =	vadd.s32 s19, v0;
	v31 =	vadd.s32 s20, v0;
	v37 =	vld.idx.msk [tilespmem:v37+s17+$0x0], $0xffff;
	[tilespmem:v34+s16+$0x0] =	vst.idx.msk $0xffff, v32  }
0x6c: {  	s19 =	sand.u32 $0x30, s19;
	v31 =	vand.u32 $0xF, v31;
	v32 =	vand.u32 $0xF, v33;
	v34 =	vor.u32 v10, v18;
	[tilespmem:v35+s16+$0x0] =	vst.idx.msk $0xffff, v30;
	v38 =	vld.idx.msk [tilespmem:v29+s17+$0x0], $0xffff  }
.Ltmp5:
0x6d: {  	v27 =	vmovc v47;
	v29 =	vor.u32 s19, v32;
	v30 =	vor.u32 s19, v31;
	v35 =	vld.idx.msk [tilespmem:v36+s17+$0x0], $0xffff;
	v36 =	vor.u32 v15, v16;
	v16 =	vmovc v21;
	(pc) =	sbr.rel @p0 .LBB2_4-.Ltmp5, $4  }
0x6e: {  	v32 =	vshll.u32 v29, $0x7;
	v33 =	vor.u32 v11, v29;
	v31 =	vshll.u32 v30, $0x7;
	v21 =	vmovc v48;
	[tilespmem:v45+s16+$0x0] =	vst.idx.msk $0xffff, v43  }
0x6f: {  	v45 =	vor.u32 v0, v32;
	v46 =	vor.u32 v0, v31;
	[tilespmem:v51+s16+$0x0] =	vst.idx.msk $0xffff, v40;
	v40 =	vld.idx.msk [tilespmem:v44+s17+$0x0], $0xffff  }
0x70: {  	v41 =	vor.u32 v5, v21;
	v43 =	vor.u32 v5, v20;
	v39 =	vld.idx.msk [tilespmem:v39+s17+$0x0], $0xffff;
	[tilespmem:v49+s16+$0x0] =	vst.idx.msk $0xffff, v42  }
0x71: {  	v44 =	vor.u32 v6, v23;
	v42 =	vor.u32 v6, v22;
	[tilespmem:v52+s16+$0x0] =	vst.idx.msk $0xffff, v37;
	v37 =	vld.idx.msk [tilespmem:v50+s17+$0x0], $0xffff  }
0x72: {  	_ =	sdelay $0x3  }
0x73: {  	v46 =	vld.idx.msk [tilespmem:v46+s17+$0x0], $0xffff;
	v47 =	vor.u32 v1, v30  }
0x74: {  	v45 =	vld.idx.msk [tilespmem:v45+s17+$0x0], $0xffff;
	v48 =	vor.u32 v1, v29;
	v49 =	vor.u32 v2, v31  }
0x75: {  	v50 =	vor.u32 v2, v32;
	_ =	sdelay $0x2  }
0x76: {  	[tilespmem:v47+s16+$0x0] =	vst.idx.msk $0xffff, v46  }
0x77: {  	v52 =	vor.u32 v3, v30;
	[tilespmem:v48+s16+$0x0] =	vst.idx.msk $0xffff, v45;
	v63 =	vld.idx.msk [tilespmem:v49+s17+$0x0], $0xffff  }
0x78: {  	v54 =	vor.u32 v3, v29;
	v55 =	vor.u32 v4, v31;
	v53 =	vld.idx.msk [tilespmem:v50+s17+$0x0], $0xffff  }
0x79: {  	v56 =	vor.u32 v4, v32;
	_ =	sdelay $0x2  }
0x7a: {  	[tilespmem:v52+s16+$0x0] =	vst.idx.msk $0xffff, v63  }
0x7b: {  	v57 =	vor.u32 v5, v30;
	[tilespmem:v54+s16+$0x0] =	vst.idx.msk $0xffff, v53;
	v45 =	vld.idx.msk [tilespmem:v55+s17+$0x0], $0xffff  }
0x7c: {  	v58 =	vor.u32 v5, v29;
	v59 =	vor.u32 v6, v31;
	v47 =	vld.idx.msk [tilespmem:v56+s17+$0x0], $0xffff  }
0x7d: {  	v60 =	vor.u32 v6, v32;
	[tilespmem:v43+s16+$0x0] =	vst.idx.msk $0xffff, v40  }
0x7e: {  	v62 =	vor.u32 v7, v20;
	v61 =	vld.idx.msk [tilespmem:v44+s17+$0x0], $0xffff  }
0x7f: {  	[tilespmem:v41+s16+$0x0] =	vst.idx.msk $0xffff, v39;
	v52 =	vor.u32 v8, v23  }
0x80: {  	v41 =	vld.idx.msk [tilespmem:v42+s17+$0x0], $0xffff;
	v63 =	vor.u32 v7, v21;
	[tilespmem:v57+s16+$0x0] =	vst.idx.msk $0xffff, v45  }
0x81: {  	v53 =	vor.u32 v8, v22;
	v54 =	vor.u32 v7, v30;
	[tilespmem:v58+s16+$0x0] =	vst.idx.msk $0xffff, v47;
	v45 =	vld.idx.msk [tilespmem:v59+s17+$0x0], $0xffff  }
0x82: {  	v55 =	vor.u32 v7, v29;
	v56 =	vor.u32 v8, v31;
	v47 =	vld.idx.msk [tilespmem:v60+s17+$0x0], $0xffff  }
0x83: {  	[tilespmem:v62+s16+$0x0] =	vst.idx.msk $0xffff, v61;
	v57 =	vor.u32 v8, v32  }
0x84: {  	v40 =	vld.idx.msk [tilespmem:v52+s17+$0x0], $0xffff;
	v58 =	vor.u32 v9, v20  }
0x85: {  	[tilespmem:v63+s16+$0x0] =	vst.idx.msk $0xffff, v41;
	v59 =	vor.u32 v10, v23  }
0x86: {  	v42 =	vld.idx.msk [tilespmem:v53+s17+$0x0], $0xffff;
	v60 =	vor.u32 v9, v21;
	[tilespmem:v54+s16+$0x0] =	vst.idx.msk $0xffff, v45  }
0x87: {  	v61 =	vor.u32 v10, v22;
	v62 =	vor.u32 v9, v30;
	[tilespmem:v55+s16+$0x0] =	vst.idx.msk $0xffff, v47;
	v46 =	vld.idx.msk [tilespmem:v56+s17+$0x0], $0xffff  }
0x88: {  	[tilespmem:v28+s16+$0x0] =	vst.idx.msk $0xffff, v38;
	v49 =	vor.u32 v9, v29;
	v63 =	vor.u32 v10, v31;
	v48 =	vld.idx.msk [tilespmem:v57+s17+$0x0], $0xffff  }
0x89: {  	v50 =	vor.u32 v10, v32;
	[tilespmem:v58+s16+$0x0] =	vst.idx.msk $0xffff, v40  }
0x8a: {  	[tilespmem:v36+s16+$0x0] =	vst.idx.msk $0xffff, v35;
	v51 =	vor.u32 v12, v19;
	v40 =	vld.idx.msk [tilespmem:v59+s17+$0x0], $0xffff  }
0x8b: {  	v34 =	vld.idx.msk [tilespmem:v34+s17+$0x0], $0xffff;
	[tilespmem:v60+s16+$0x0] =	vst.idx.msk $0xffff, v42;
	v54 =	vor.u32 v12, v23  }
0x8c: {  	v52 =	vor.u32 v12, v18;
	v53 =	vld.idx.msk [tilespmem:v61+s17+$0x0], $0xffff;
	[tilespmem:v62+s16+$0x0] =	vst.idx.msk $0xffff, v46  }
0x8d: {  	v55 =	vor.u32 v11, v30;
	v56 =	vor.u32 v12, v22;
	[tilespmem:v49+s16+$0x0] =	vst.idx.msk $0xffff, v48;
	v28 =	vld.idx.msk [tilespmem:v63+s17+$0x0], $0xffff  }
0x8e: {  	[tilespmem:v26+s16+$0x0] =	vst.idx.msk $0xffff, v37;
	v58 =	vor.u32 v12, v31;
	v57 =	vld.idx.msk [tilespmem:v50+s17+$0x0], $0xffff  }
0x8f: {  	v59 =	vld.idx.msk [tilespmem:v51+s17+$0x0], $0xffff;
	v60 =	vor.u32 v13, v17;
	v61 =	vor.u32 v12, v32;
	[tilespmem:v27+s16+$0x0] =	vst.idx.msk $0xffff, v40  }
0x90: {  	[tilespmem:v24+s16+$0x0] =	vst.idx.msk $0xffff, v34;
	v45 =	vor.u32 v14, v19;
	v47 =	vld.idx.msk [tilespmem:v54+s17+$0x0], $0xffff;
	v48 =	vor.u32 v13, v20  }
0x91: {  	v51 =	vor.u32 v14, v23;
	v62 =	vld.idx.msk [tilespmem:v52+s17+$0x0], $0xffff;
	[tilespmem:v25+s16+$0x0] =	vst.idx.msk $0xffff, v53;
	v63 =	vor.u32 v13, v16  }
0x92: {  	v46 =	vor.u32 v14, v18;
	v49 =	vld.idx.msk [tilespmem:v56+s17+$0x0], $0xffff;
	v50 =	vor.u32 v13, v21;
	[tilespmem:v55+s16+$0x0] =	vst.idx.msk $0xffff, v28  }
0x93: {  	v52 =	vor.u32 v14, v22;
	v54 =	vor.u32 v13, v30;
	[tilespmem:v33+s16+$0x0] =	vst.idx.msk $0xffff, v57;
	v53 =	vld.idx.msk [tilespmem:v58+s17+$0x0], $0xffff  }
0x94: {  	[tilespmem:v60+s16+$0x0] =	vst.idx.msk $0xffff, v59;
	v56 =	vor.u32 v13, v29;
	v57 =	vor.u32 v14, v31;
	v55 =	vld.idx.msk [tilespmem:v61+s17+$0x0], $0xffff  }
0x95: {  	v17 =	vor.u32 v15, v17;
	v19 =	vld.idx.msk [tilespmem:v45+s17+$0x0], $0xffff;
	[tilespmem:v48+s16+$0x0] =	vst.idx.msk $0xffff, v47;
	v58 =	vor.u32 v14, v32  }
0x96: {  	v59 =	vor.u32 v15, v20;
	[tilespmem:v63+s16+$0x0] =	vst.idx.msk $0xffff, v62;
	v23 =	vld.idx.msk [tilespmem:v51+s17+$0x0], $0xffff  }
0x97: {  	v16 =	vor.u32 v15, v16;
	[tilespmem:v50+s16+$0x0] =	vst.idx.msk $0xffff, v49;
	v18 =	vld.idx.msk [tilespmem:v46+s17+$0x0], $0xffff  }
0x98: {  	v60 =	vor.u32 v15, v21;
	v22 =	vld.idx.msk [tilespmem:v52+s17+$0x0], $0xffff;
	[tilespmem:v54+s16+$0x0] =	vst.idx.msk $0xffff, v53  }
0x99: {  	v61 =	vor.u32 v15, v30;
	[tilespmem:v56+s16+$0x0] =	vst.idx.msk $0xffff, v55;
	v62 =	vld.idx.msk [tilespmem:v57+s17+$0x0], $0xffff  }
0x9a: {  	[tilespmem:v17+s16+$0x0] =	vst.idx.msk $0xffff, v19;
	v63 =	vor.u32 v15, v29;
	v17 =	vld.idx.msk [tilespmem:v58+s17+$0x0], $0xffff  }
0x9b: {  	[tilespmem:v59+s16+$0x0] =	vst.idx.msk $0xffff, v23  }
.Ltmp6:
0x9c: {  	[tilespmem:v16+s16+$0x0] =	vst.idx.msk $0xffff, v18;
	(pc) =	sbr.rel .LBB2_6-.Ltmp6, $4  }
0x9d: {  	[tilespmem:v60+s16+$0x0] =	vst.idx.msk $0xffff, v22  }
0x9e: {  	s15 =	sshll.u32 s15, $0xA;
	[tilespmem:v61+s16+$0x0] =	vst.idx.msk $0xffff, v62  }
0x9f: {  	s14 =	sadd.s32 $0x3, s14;
	s15 =	sadd.s32 s5, s15;
	[tilespmem:v63+s16+$0x0] =	vst.idx.msk $0xffff, v17  }
0xa0: {  	[hbm4b:s15+s3] =	stream.linear.scatter [tilespmem:s16], [sflag:s14], $0x2000, $0x38;
	[tilespmem:$0x8000] =	vst v63  }
.LBB2_8:
0xa1: {  	_ =	sfence.sel $0x180000  }
0xa2: {  	[bflag:$0x0] =	sbarrier.arrive $0xFFFF  }
0xa3: {  	p0 =	sne.s32 s1, $0x0;
	_ =	strace $0x90000047  }
0xa4: {  	s0 =	sadd.s32 @!p0 $0x100000, s0;
	[bflag:$0x2] =	sbarrier.arrive $0xFFFF  }
0xa5: {  	[sflag:s0] =	ssyncadd.tile.s32 @!p0 $0x1;
	_ =	shalt  }
.Lfunc_end2:
_tile_overlayer_lowered:
.L_overlay_start_2:
0xa6: {  	(tag) =	ssettag $0x2  }
0xa7: {  	s0 =	rddreg [dreg:$0x0];
	s2 =	stileid.u32  }
0xa8: {  	s1 =	rddreg [dreg:$0x1];
	p0 =	sne.s32 s2, $0x0  }
0xa9: {  	s3 =	rddreg [dreg:$0x2];
	[bflag:$0x3] =	sbarrier.arrive $0xFFFF;
	s2 =	simm.s32 @!p0 $0x1C05  }
0xaa: {  	[timem:s3], [sflag:s2] =	dma.local @!p0 [hbm:s0], s1  }
0xab: {  	s0 =	simm.s32 @!p0 $0x5  }
0xac: {  	_ =	swait.ge @!p0 [sflag:s0], s1  }
0xad: {  	s1 =	ssub.s32 @!p0 $0x0, s1;
	[sflag:s0] =	ssyncset.done @!p0 $0x0  }
0xae: {  	[sflag:s0] =	ssyncadd.s32 @!p0 s1  }
0xaf: {  	[bflag:$0x3] =	sbarrier.arrive $0xFFFF  }
0xb0: {  	_ =	shalt  }

// kernel: kernel.7.cloned.1.call-start
scs
__scs_entry_jumppad:
0x0: {  	(pc) =	sbr.rel $0x88, $3  }
0x1: {  	(tag) =	ssettag $0x0;
	lr =	simm.s32 $0x1  }
0x2: {  	[smem:$0x3F9E] =	sst lr;
	_ =	strace $0xD0000000  }
0x3: {  	_ = 	snop  }
0x4: {  	_ = 	snop  }
0x5: {  	_ = 	snop  }
0x6: {  	_ = 	snop  }
0x7: {  	_ = 	snop  }
__scs_overlays_trampoline_lowered:
0x8: {  	[smem:$0x3FAD] =	sst s0  }
0x9: {  	[smem:$0x3FAE] =	sst s1  }
0xa: {  	[smem:$0x3FAF] =	sst s2  }
0xb: {  	[smem:$0x3FB0] =	sst s3  }
0xc: {  	[smem:$0x3FB1] =	sst s4  }
0xd: {  	[smem:$0x3FB2] =	sst s5  }
0xe: {  	[smem:$0x3FB3] =	sst s6  }
0xf: {  	[smem:$0x3FB4] =	sst s7  }
0x10: {  	[smem:$0x3FB5] =	sst s8  }
0x11: {  	[smem:$0x3FB6] =	sst s9;
	s0 =	simm.s32 @!p0 $0x0  }
0x12: {  	s1 =	sld [smem:$0x3F9C];
	s0 =	simm.s32 @p0 $0x1  }
0x13: {  	[smem:$0x3FB7] =	sst s0;
	s0 =	simm.s32 @!p1 $0x0  }
0x14: {  	s2 =	sld [smem:$0x3F9B];
	s0 =	simm.s32 @p1 $0x1  }
0x15: {  	[smem:$0x3FB8] =	sst s0;
	s0 =	simm.s32 @!p2 $0x0  }
0x16: {  	s3 =	sld [smem:$0x3FDB];
	s0 =	simm.s32 @p2 $0x1  }
0x17: {  	s4 =	simm.s32 $0x1BF5;
	[smem:$0x3FBA] =	sst s0  }
0x18: {  	s0 =	sld [smem:$0x3F9D];
	_ =	swait.ge [sflag:s4], $0x0  }
0x19: {  	s7 =	sld [smem:$0x3F9E]  }
0x1a: {  	s8 =	sadd.s32 $0xFFFFE003, lr  }
0x1b: {  	s9 =	sadd.s32 $0xFFFFFEF7, lr;
	s5 =	simm.s32 $0xFFFFFFFF;
	p2 =	slt.u32 s8, $0xFFFFF086  }
0x1c: {  	p1 =	slt.u32 s9, $0xF7A;
	s5 =	simm.s32 @!p2 $0x0  }
0x1d: {  	s5 =	simm.s32 @p1 $0x1;
	p0 =	seq.s32 s7, s2  }
0x1e: {  	s7 =	smul.u32 @!p0 $0xF7A, s2;
	p2 =	seq.s32 @!p0 s5, $0x0  }
0x1f: {  	s9 =	smul.u32 $0xF7A, s1;
	s8 =	simm.s32 @!p0 $0x1BF5;
	p2 =	por !p2, p0  }
0x20: {  	[sflag:s8] =	ssyncset.s32 @!p0 $0xFFFFF086;
	s6 =	sadd.s32 @!p0 s3, s7;
	s7 =	simm.s32 @!p0 $0x108  }
0x21: {  	s3 =	sadd.s32 s3, s9;
	s6 =	sadd.s32 @!p0 $0x88, s6;
	s7 =	simm.s32 @p2 $0x1082  }
0x22: {  	[simem:s7], [sflag:s8] =	dma.local @!p0 [hbm:s6], $0xF7A  }
0x23: {  	s9 =	sor.u32 $0xD0000000, s2;
	s6 =	simm.s32 $0x108;
	_ =	swait.ge @!p0 [sflag:s8], $0x0  }
0x24: {  	s3 =	sadd.s32 $0x88, s3;
	s6 =	simm.s32 @!p1 $0x1082;
	[sflag:s4] =	ssyncset.s32 $0xFFFFF086  }
0x25: {  	[simem:s6], [sflag:s4] =	dma.local [hbm:s3], $0xF7A  }
0x26: {  	[smem:$0x3F9E] =	sst s1;
	(tag) =	ssettag s2;
	_ =	strace s9  }
0x27: {  	s1 =	sld [smem:$0x3FAE]  }
0x28: {  	s2 =	sld [smem:$0x3FAF]  }
0x29: {  	s4 =	sld [smem:$0x3FB1]  }
0x2a: {  	p0 =	seq.s32 s5, $0x0;
	s5 =	sld [smem:$0x3FB2]  }
0x2b: {  	s6 =	sld [smem:$0x3FB3]  }
0x2c: {  	s7 =	sld [smem:$0x3FB4]  }
0x2d: {  	s3 =	simm.s32 $0x108;
	s8 =	sld [smem:$0x3FB5]  }
0x2e: {  	s3 =	simm.s32 @!p0 $0x1082;
	s9 =	sld [smem:$0x3FB6]  }
0x2f: {  	lr =	sadd.s32 s0, s3;
	s0 =	sld [smem:$0x3FAD]  }
0x30: {  	s3 =	sld [smem:$0x3FB0]  }
0x31: {  	[smem:$0x3FB9] =	sst s10  }
0x32: {  	s10 =	sld [smem:$0x3FB7];
	_ =	sdelay $0x3  }
0x33: {  	p0 =	seq.s32 s10, $0x1;
	s10 =	sld [smem:$0x3FB9];
	_ =	sdelay $0x3  }
0x34: {  	[smem:$0x3FB9] =	sst s10  }
0x35: {  	s10 =	sld [smem:$0x3FB8];
	_ =	sdelay $0x3  }
0x36: {  	p1 =	seq.s32 s10, $0x1;
	s10 =	sld [smem:$0x3FB9];
	_ =	sdelay $0x3  }
0x37: {  	[smem:$0x3FB9] =	sst s10  }
0x38: {  	s10 =	sld [smem:$0x3FBA]  }
0x39: {  	_ = 	snop;
	(pc) =	sbr.ind lr, $3  }
0x3a: {  	_ = 	snop  }
0x3b: {  	_ = 	snop  }
0x3c: {  	p2 =	seq.s32 s10, $0x1;
	s10 =	sld [smem:$0x3FB9]  }
0x3d: {  	_ =	shalt  }
0x3e: {  	_ =	shalt  }
0x3f: {  	_ =	shalt  }
0x40: {  	_ =	shalt  }
0x41: {  	_ =	shalt  }
0x42: {  	_ =	shalt  }
0x43: {  	_ =	shalt  }
0x44: {  	_ =	shalt  }
0x45: {  	_ =	shalt  }
0x46: {  	_ =	shalt  }
0x47: {  	_ =	shalt  }
0x48: {  	_ =	shalt  }
0x49: {  	_ =	shalt  }
0x4a: {  	_ =	shalt  }
0x4b: {  	_ =	shalt  }
0x4c: {  	_ =	shalt  }
0x4d: {  	_ =	shalt  }
0x4e: {  	_ =	shalt  }
0x4f: {  	_ =	shalt  }
0x50: {  	_ =	shalt  }
0x51: {  	_ =	shalt  }
0x52: {  	_ =	shalt  }
0x53: {  	_ =	shalt  }
0x54: {  	_ =	shalt  }
0x55: {  	_ =	shalt  }
0x56: {  	_ =	shalt  }
0x57: {  	_ =	shalt  }
0x58: {  	_ =	shalt  }
0x59: {  	_ =	shalt  }
0x5a: {  	_ =	shalt  }
0x5b: {  	_ =	shalt  }
0x5c: {  	_ =	shalt  }
0x5d: {  	_ =	shalt  }
0x5e: {  	_ =	shalt  }
0x5f: {  	_ =	shalt  }
0x60: {  	_ =	shalt  }
0x61: {  	_ =	shalt  }
0x62: {  	_ =	shalt  }
0x63: {  	_ =	shalt  }
0x64: {  	_ =	shalt  }
0x65: {  	_ =	shalt  }
0x66: {  	_ =	shalt  }
0x67: {  	_ =	shalt  }
0x68: {  	_ =	shalt  }
0x69: {  	_ =	shalt  }
0x6a: {  	_ =	shalt  }
0x6b: {  	_ =	shalt  }
0x6c: {  	_ =	shalt  }
0x6d: {  	_ =	shalt  }
0x6e: {  	_ =	shalt  }
0x6f: {  	_ =	shalt  }
0x70: {  	_ =	shalt  }
0x71: {  	_ =	shalt  }
0x72: {  	_ =	shalt  }
0x73: {  	_ =	shalt  }
0x74: {  	_ =	shalt  }
0x75: {  	_ =	shalt  }
0x76: {  	_ =	shalt  }
0x77: {  	_ =	shalt  }
0x78: {  	_ =	shalt  }
0x79: {  	_ =	shalt  }
0x7a: {  	_ =	shalt  }
0x7b: {  	_ =	shalt  }
0x7c: {  	_ =	shalt  }
0x7d: {  	_ =	shalt  }
0x7e: {  	_ =	shalt  }
0x7f: {  	_ =	shalt  }
0x80: {  	_ =	shalt  }
0x81: {  	_ =	shalt  }
0x82: {  	_ =	shalt  }
0x83: {  	_ =	shalt  }
0x84: {  	_ =	shalt  }
0x85: {  	_ =	shalt  }
0x86: {  	_ =	shalt  }
0x87: {  	_ =	shalt  }
.Lfunc_end0:
.L_simem_size_0:
called_computation.1_lowered:
.L_overlay_start_0:
0x88: {  	s2 =	sld [smem:$0x3FD9]  }
0x89: {  	s3 =	sld [smem:$0x3FFE];
	_ =	sdelay $0x1  }
0x8a: {  	s1 =	srdreg.scid  }
0x8b: {  	s0 =	sand.u32 $0x1, s1  }
0x8c: {  	s17 =	sshll.u32 s0, $0xA;
	s2 =	sadd.s32 s3, s2  }
0x8d: {  	s2 =	sadd.s32 s2, s17  }
0x8e: {  	[smem:$0x3FC5] =	sst s2  }
0x8f: {  	_ = 	snop  }
0x90: {  	s2 =	sld [smem:$0x3FC9]  }
0x91: {  	s18 =	sld [smem:$0x3FD0];
	(tm) =	ssettm $0x1  }
0x92: {  	s4 =	sld [smem:$0x3FFB];
	_ =	sdelay $0x3  }
0x93: {  	_ =	strace s4  }
0x94: {  	s4 =	sld [smem:$0x3FFC];
	_ =	sdelay $0x3  }
0x95: {  	_ =	strace s4  }
0x96: {  	s4 =	sld [smem:$0x3FFD];
	_ =	sdelay $0x3  }
0x97: {  	_ =	strace s4  }
0x98: {  	_ =	strace $0x8FFFFFFF  }
0x99: {  	s19 =	sld [smem:$0x3FDB];
	_ =	sdelay $0x1  }
0x9a: {  	s5 =	simm.s32 $_scs_section_size  }
0x9b: {  	s6 =	simm.s32 $_size__tile_overlayer_lowered;
	s7 =	simm.s32 $_tile_overlayer_lowered  }
0x9c: {  	s22 =	simm.s32 $0x1BFF;
	s21 =	sshll.u32 s7, $0x1;
	s4 =	sadd.s32 s5, s19  }
0x9d: {  	s8 =	simm.s32 $0x0;
	s20 =	sshll.u32 s6, $0x1;
	s6 =	sadd.s32 s21, s4  }
0x9e: {  	[timem:s8], [sflag:s22] =	dma.local [hbm:s6], s20  }
0x9f: {  	_ =	swait.ge [sflag:s22], s20  }
0xa0: {  	s5 =	ssub.s32 $0x0, s20;
	[sflag:s22] =	ssyncset.done $0x0  }
0xa1: {  	[sflag:s22] =	ssyncadd.s32 s5;
	_ =	sdelay $0x1  }
0xa2: {  	s23 =	simm.s32 $0x1B8B  }
0xa3: {  	_ =	swait.ge [sflag:s23], $0x1  }
0xa4: {  	[sflag:s23] =	ssyncset.done $0x0  }
0xa5: {  	s25 =	simm.s32 $0x1B8E;
	s24 =	sld [smem:$0x3FFE];
	[sflag:s23] =	ssyncadd.s32 $0xFFFFFFFF  }
0xa6: {  	s26 =	simm.s32 $execute0_lowered;
	[smem:$0x3FD2] =	sst s25  }
0xa7: {  	s6 =	sshll.u32 s26, $0x1;
	_ =	strace $0x80000049;
	[dreg:$0x1] =	wrdreg $0xFFFFFFFF  }
0xa8: {  	s28 =	simm.s32 $_size_execute0_lowered;
	s4 =	sadd.s32 s4, s6;
	[dreg:$0x0] =	wrdreg $0x0  }
0xa9: {  	s6 =	sshll.u32 s28, $0x1;
	[dreg:$0x2] =	wrdreg s4  }
0xaa: {  	[dreg:$0x3] =	wrdreg s6  }
0xab: {  	[dreg:$0x4] =	wrdreg $0xC0  }
0xac: {  	_ =	task [dreg:s8], $0x5FFFF  }
0xad: {  	[dreg:$0x1] =	wrdreg $0xFFFFFFFF  }
0xae: {  	[dreg:$0x0] =	wrdreg $0x60  }
0xaf: {  	[dreg:$0x2] =	wrdreg s2  }
0xb0: {  	[dreg:$0x3] =	wrdreg s24  }
0xb1: {  	[dreg:$0x4] =	wrdreg s18  }
0xb2: {  	[dreg:$0x5] =	wrdreg $0x9  }
0xb3: {  	_ =	task.clear_ibuf [dreg:s8], $0x6FFFF;
	_ =	strace $0x90000049  }
0xb4: {  	s29 =	simm.s32 $0x9;
	_ =	strace $0x8000004B  }
0xb5: {  	_ =	swait.ge [sflag:s29], $0x1  }
0xb6: {  	[sflag:s29] =	ssyncadd.s32 $0xFFFFFFFF  }
0xb7: {  	_ =	strace $0x9000004B  }
0xb8: {  	_ =	sfence  }
0xb9: {  	s30 =	sld [smem:$0x0];
	_ =	sdelay $0x2  }
0xba: {  	s31 =	sshll.u32 s1, $0xD;
	s1 =	sshrl.u32 s1, $0x2  }
0xbb: {  	s3 =	sand.u32 $0x4000, s31;
	s1 =	sadd.s32 s1, s30  }
0xbc: {  	s0 =	sor.u32 s3, s0;
	s1 =	sshll.u32 s1, $0x11  }
0xbd: {  	s0 =	sor.u32 s1, s0  }
0xbe: {  	s0 =	sadd.s32 $0x8F2B, s0  }
0xbf: {  	[sflag:s0] =	ssyncadd.remote.s32 $0x1  }
0xc0: {  	_ =	sfence.sel $0xFFFF  }
0xc1: {  	[dreg:$0x0] =	wrdreg $0xFFFFFFFF;
	(pc) =	sbr.abs _section_cstart, $3  }
0xc2: {  	[dreg:$0x1] =	wrdreg $0xFFFFFFFF  }
0xc3: {  	_ =	task.clear_ibuf [dreg:s8], $0x2FFFF;
	_ =	strace $0x9FFFFFFF  }
0xc4: {  	(tm) =	ssettm $0x7FFFFFFF  }
0xc5: {  	_ =	shalt  }
tec
execute0_lowered:
.L_overlay_start_1:
0x0: {  	(tag) =	ssettag $0x1  }
0x1: {  	s1 =	rddreg [dreg:$0x0]  }
0x2: {  	s0 =	rddreg [dreg:$0x1]  }
0x3: {  	s3 =	rddreg [dreg:$0x2]  }
0x4: {  	s2 =	srdreg.scid;
	s5 =	stileid.u32;
	s4 =	simm.s32 $0x0  }
0x5: {  	s11 =	simm.s32 $0x10200;
	s12 =	simm.s32 $0x7;
	s13 =	simm.s32 $0x80  }
0x6: {  	s16 =	simm.s32 $0x100;
	s17 =	simm.s32 $0x400;
	s18 =	simm.s32 $0x8000  }
0x7: {  	v0 =	vlaneseq.u32;
	s19 =	simm.s32 $0x5;
	s20 =	simm.s32 $0x6;
	s2 =	sand.u32 $0x1, s2  }
0x8: {  	s21 =	simm.s32 $0x0;
	s5 =	sshll.u32 s5, $0xB;
	v1 =	vmul.u32 $0x40, v0;
	v3 =	vor.u32 $0x10, v0;
	v5 =	vor.u32 $0x20, v0;
	s6 =	sshll.u32 s2, $0xA  }
0x9: {  	[smem:$0x7FF] =	sst s4;
	v7 =	vor.u32 $0x30, v0;
	v9 =	vor.u32 $0x40, v0;
	v11 =	vor.u32 $0x50, v0;
	s2 =	ssub.s32 $0x2, s2;
	s5 =	sor.u32 s6, s5  }
0xa: {  	s8 =	sadd.s32 $0x7A1E00, s0;
	v13 =	vor.u32 $0x60, v0;
	v15 =	vor.u32 $0x70, v0;
	s9 =	sshrl.u32 s2, $0x1;
	v2 =	vor.u32 $0x400, v1;
	s7 =	sshrl.u32 s5, $0x3  }
0xb: {  	_ =	strace $0x8000004A;
	v4 =	vor.u32 $0x800, v1;
	v6 =	vor.u32 $0xC00, v1;
	v8 =	vor.u32 $0x1000, v1;
	s31 =	ssub.s32 s2, s9;
	s7 =	sadd.s32 s1, s7  }
0xc: {  	s6 =	sadd.s32 $0xA00, s0;
	v10 =	vor.u32 $0x1400, v1;
	v12 =	vor.u32 $0x1800, v1;
	v14 =	vor.u32 $0x1C00, v1;
	s10 =	smax.u32 s31, $0x1;
	s9 =	sadd.s32 $0x20, s7  }
.LBB2_1:
0xd: {  	[tilespmem:s11], [sflag:$0x7] =	stream.linear.gather [hbm4b:s8+s4], $0x3200, $0x38;
	[tilespmem:$0x13400] =	vst v63  }
0xe: {  	_ =	swait.ge [sflag:s12], $0x3200  }
0xf: {  	[sflag:s12] =	ssyncset.done $0x0  }
0x10: {  	[sflag:s12] =	ssyncadd.s32 $0xFFFFCE00  }
0x11: {  	[tilespmem:s4], [sflag:$0x7] =	stream.linear.gather [hbm4b:s7+s4], $0x100, $0x38;
	[tilespmem:$0x13400] =	vst v63  }
0x12: {  	_ =	swait.ge [sflag:s12], $0x100  }
0x13: {  	[sflag:s12] =	ssyncset.done $0x0  }
0x14: {  	s0 =	simm.s32 $0x200;
	[sflag:s12] =	ssyncadd.s32 $0xFFFFFF00  }
0x15: {  	[tilespmem:s0], [sflag:$0x3] =	stream.indirect.gather [hbm4b:s6+s13], $0x40, s4, s13, $0xb8;
	[tilespmem:$0x13400] =	vst v63  }
0x16: {  	s31 =	simm.s32 $0x2200  }
0x17: {  	[tilespmem:s31], [sflag:$0x3] =	stream.indirect.gather [hbm4b:s6+s13], $0x40, s13, s13, $0xb8;
	[tilespmem:$0x13400] =	vst v63  }
0x18: {  	s22 =	simm.s32 $0x0  }
0x19: {  	[tilespmem:s16], [sflag:$0x2] =	stream.linear.gather [hbm4b:s9+s4], $0x100, $0x38;
	[tilespmem:$0x13400] =	vst v63  }
.LBB2_2:
0x1a: {  	s0 =	sand.u32 $0x1, s22  }
0x1b: {  	s2 =	sadd.s32 $0x3, s0  }
0x1c: {  	_ =	swait.ge [sflag:s2], $0x2000  }
0x1d: {  	[sflag:s2] =	ssyncset.done $0x0  }
0x1e: {  	[sflag:s2] =	ssyncadd.s32 $0xFFFFE000  }
0x1f: {  	p0 =	seq.s32 s22, $0x63;
	_ =	swait.ge [sflag:s2], $0x2000  }
0x20: {  	s23 =	sxor.u32 @!p0 $0x1, s0;
	[sflag:s2] =	ssyncset.done $0x0  }
0x21: {  	[sflag:s2] =	ssyncadd.s32 $0xFFFFE000;
	s2 =	sadd.s32 @!p0 $0x1, s23  }
0x22: {  	s26 =	simm.s32 @!p0 $0x80;
	_ =	swait.ge @!p0 [sflag:s2], $0x100  }
0x23: {  	s24 =	sshll.u32 @!p0 s23, $0xE;
	s25 =	sshll.u32 @!p0 s23, $0x8;
	[sflag:s2] =	ssyncset.done @!p0 $0x0  }
0x24: {  	s23 =	sadd.s32 @!p0 $0x3, s23;
	[sflag:s2] =	ssyncadd.s32 @!p0 $0xFFFFFF00;
	s2 =	sor.u32 @!p0 $0x200, s24  }
0x25: {  	[tilespmem:s2], [sflag:s23] =	stream.indirect.gather @!p0 [hbm4b:s6+s26], $0x40, s25, s26, $0xb8;
	[tilespmem:$0x13400] =	vst v63  }
0x26: {  	p1 =	sgt.u32 @!p0 s22, $0x61;
	s2 =	sor.u32 @!p0 $0x2200, s24;
	s24 =	sor.u32 @!p0 $0x80, s25  }
0x27: {  	[tilespmem:s2], [sflag:s23] =	stream.indirect.gather @!p0 [hbm4b:s6+s26], $0x40, s24, s26, $0xb8;
	[tilespmem:$0x13400] =	vst v63  }
0x28: {  	p0 =	por p0, p1  }
0x29: {  	s2 =	sadd.s32 @!p0 $0x2, s22  }
0x2a: {  	s23 =	sshll.u32 @!p0 s2, $0x8;
	s2 =	sshll.u32 @!p0 s2, $0xD  }
0x2b: {  	s23 =	sand.u32 @!p0 $0x300, s23;
	s2 =	sand.u32 @!p0 $0x1F8000, s2  }
0x2c: {  	s2 =	sor.u32 @!p0 s2, s23  }
0x2d: {  	s2 =	sor.u32 @!p0 s5, s2  }
0x2e: {  	s24 =	sadd.s32 @!p0 $0x1, s0;
	s2 =	sshrl.u32 @!p0 s2, $0x3  }
0x2f: {  	s25 =	simm.s32 @!p0 $0x0;
	s23 =	sshll.u32 @!p0 s0, $0x8;
	s2 =	sadd.s32 @!p0 s1, s2  }
0x30: {  	[tilespmem:s23], [sflag:s24] =	stream.linear.gather @!p0 [hbm4b:s2+s25], $0x100, $0x38;
	[tilespmem:$0x13400] =	vst v63  }
0x31: {  	s24 =	simm.s32 $0x0  }
0x32: {  	s26 =	sand.u32 $0x3E, s24  }
0x33: {  	s14 =	sor.u32 $0x1, s26  }
0x34: {  	s28 =	sshll.u32 s22, $0x7;
	s15 =	sand.u32 $0x40, s24;
	v16 =	vadd.s32 s14, v0  }
0x35: {  	s2 =	sand.u32 $0x30, s24;
	v18 =	vadd.s32 s26, v0;
	s25 =	sor.u32 s28, s15;
	v17 =	vand.u32 $0xF, v16  }
0x36: {  	v20 =	vand.u32 $0xF, v18;
	s24 =	sor.u32 s2, s25;
	v21 =	vand.u32 $0x7, v16;
	v19 =	vor.u32 s2, v17  }
0x37: {  	v23 =	vor.u32 s2, v20;
	v17 =	vor.u32 s24, v17;
	v22 =	vand.u32 $0x38, v19  }
0x38: {  	p1 =	slt.u32 @!p0 s22, $0x2;
	v30 =	vor.u32 v21, v22;
	v21 =	vand.u32 $0x38, v23;
	v22 =	vand.u32 $0x7, v18  }
0x39: {  	p0 =	por p0, !p1;
	s23 =	sadd.s32 $0x5, s0;
	v20 =	vor.u32 s24, v20;
	v29 =	vor.u32 v22, v21  }
0x3a: {  	_ =	swait.ge @p0 [sflag:s23], $0x4000;
	v21 =	vor.u32 v1, v29  }
0x3b: {  	[sflag:s23] =	ssyncset.done @p0 $0x0;
	v24 =	vor.u32 v1, v30  }
0x3c: {  	s26 =	simm.s32 $0x0;
	[sflag:s23] =	ssyncadd.s32 @p0 $0xFFFFC000  }
0x3d: {  	v16 =	vshll.u32 v16, $0x7;
	s24 =	sshll.u32 s0, $0xE;
	s2 =	sand.u32 $0x2000, s26;
	v27 =	vld.idx.msk [tilespmem:v17+s11+$0x0], $0xffff;
	v17 =	vshll.u32 v18, $0x7;
	v18 =	vshll.u32 v19, $0x7  }
0x3e: {  	v16 =	vand.u32 $0x380, v16;
	s25 =	sor.u32 s24, s2;
	v22 =	vshll.u32 v23, $0x7;
	v28 =	vld.idx.msk [tilespmem:v20+s11+$0x0], $0xffff;
	v18 =	vand.u32 $0x1C00, v18  }
0x3f: {  	v20 =	vand.u32 $0x1C00, v22;
	v17 =	vand.u32 $0x380, v17;
	v35 =	vor.u32 v16, v18;
	v16 =	vld.idx.msk [tilespmem:v21+s25+$0x200], $0xffff  }
0x40: {  	v31 =	vor.u32 v17, v20;
	v19 =	vld.idx.msk [tilespmem:v24+s25+$0x200], $0xffff  }
0x41: {  	v20 =	vor.u32 v0, v31  }
0x42: {  	v17 =	vor.u32 v0, v35;
	v21 =	vor.u32 v2, v29;
	_ =	sdelay $0x1  }
0x43: {  	v18 =	vor.u32 v2, v30;
	v16 =	vadd.f32 v16, v28  }
0x44: {  	v19 =	vadd.f32 v19, v27  }
0x45: {  	[tilespmem:v20+s25+$0x8200] =	vst.idx.msk $0xffff, v16  }
0x46: {  	s0 =	simm.s32 $0x2;
	[tilespmem:v17+s25+$0x8200] =	vst.idx.msk $0xffff, v19;
	v17 =	vld.idx.msk [tilespmem:v21+s25+$0x200], $0xffff  }
0x47: {  	s2 =	sand.u32 $0x3E, s0  }
0x48: {  	s14 =	sor.u32 $0x1, s2;
	v16 =	vld.idx.msk [tilespmem:v18+s25+$0x200], $0xffff;
	v18 =	vor.u32 v3, v31  }
0x49: {  	v23 =	vor.u32 v4, v30;
	v22 =	vadd.s32 s14, v0;
	v20 =	vor.u32 v4, v29  }
0x4a: {  	s15 =	sand.u32 $0x40, s0;
	s0 =	sand.u32 $0x30, s0;
	v32 =	vand.u32 $0x7, v22;
	v24 =	vadd.s32 s2, v0;
	v19 =	vand.u32 $0xF, v22  }
0x4b: {  	s26 =	sor.u32 s28, s15;
	v25 =	vor.u32 s0, v19;
	v21 =	vor.u32 v3, v35;
	v17 =	vadd.f32 v17, v28  }
0x4c: {  	s2 =	sor.u32 s0, s26;
	v26 =	vand.u32 $0xF, v24;
	v54 =	vand.u32 $0x7, v24;
	v33 =	vand.u32 $0x38, v25  }
0x4d: {  	v16 =	vadd.f32 v16, v27;
	[tilespmem:v18+s25+$0x8200] =	vst.idx.msk $0xffff, v17;
	v17 =	vor.u32 s0, v26;
	v18 =	vor.u32 s2, v19  }
0x4e: {  	v19 =	vor.u32 v32, v33;
	v26 =	vor.u32 s2, v26;
	v20 =	vld.idx.msk [tilespmem:v20+s25+$0x200], $0xffff;
	v53 =	vand.u32 $0x38, v17  }
0x4f: {  	v34 =	vor.u32 v1, v19;
	v36 =	vor.u32 v54, v53  }
0x50: {  	v55 =	vor.u32 v5, v31;
	[tilespmem:v21+s25+$0x8200] =	vst.idx.msk $0xffff, v16;
	v21 =	vor.u32 v1, v36  }
0x51: {  	v56 =	vor.u32 v6, v29;
	s2 =	simm.s32 $0x100;
	v23 =	vld.idx.msk [tilespmem:v23+s25+$0x200], $0xffff  }
0x52: {  	v39 =	vor.u32 v5, v35;
	s0 =	sand.u32 $0x2000, s2;
	v57 =	vshll.u32 v17, $0x7;
	v16 =	vld.idx.msk [tilespmem:v18+s11+$0x0], $0xffff  }
0x53: {  	s26 =	sor.u32 s24, s0;
	v18 =	vshll.u32 v22, $0x7;
	v22 =	vshll.u32 v25, $0x7;
	v17 =	vld.idx.msk [tilespmem:v26+s11+$0x0], $0xffff;
	v20 =	vadd.f32 v20, v28  }
0x54: {  	v24 =	vshll.u32 v24, $0x7;
	v25 =	vld.idx.msk [tilespmem:v34+s26+$0x200], $0xffff;
	v18 =	vand.u32 $0x380, v18;
	v22 =	vand.u32 $0x1C00, v22  }
0x55: {  	v24 =	vand.u32 $0x380, v24;
	v26 =	vand.u32 $0x1C00, v57;
	v18 =	vor.u32 v18, v22;
	[tilespmem:v55+s25+$0x8200] =	vst.idx.msk $0xffff, v20;
	v20 =	vld.idx.msk [tilespmem:v21+s26+$0x200], $0xffff  }
0x56: {  	v37 =	vor.u32 v6, v30;
	v38 =	vor.u32 v24, v26;
	v22 =	vor.u32 v0, v18;
	v21 =	vld.idx.msk [tilespmem:v56+s25+$0x200], $0xffff  }
0x57: {  	s14 =	simm.s32 $0x4;
	v23 =	vadd.f32 v23, v27;
	v24 =	vor.u32 v2, v19;
	v26 =	vor.u32 v0, v38  }
0x58: {  	v44 =	vor.u32 v10, v29;
	s15 =	sand.u32 $0x3E, s14;
	v59 =	vor.u32 v7, v31;
	v58 =	vor.u32 v2, v36  }
0x59: {  	s29 =	sor.u32 $0x1, s15;
	[tilespmem:v39+s25+$0x8200] =	vst.idx.msk $0xffff, v23;
	v23 =	vadd.f32 v25, v16;
	v25 =	vor.u32 v8, v29  }
0x5a: {  	v49 =	vadd.s32 s15, v0;
	v47 =	vadd.s32 s29, v0;
	v20 =	vadd.f32 v20, v17  }
0x5b: {  	v40 =	vor.u32 v11, v31;
	v37 =	vld.idx.msk [tilespmem:v37+s25+$0x200], $0xffff;
	[tilespmem:v22+s26+$0x8200] =	vst.idx.msk $0xffff, v23;
	v21 =	vadd.f32 v21, v28  }
0x5c: {  	v61 =	vand.u32 $0xF, v49;
	v45 =	vor.u32 v9, v35;
	v48 =	vand.u32 $0xF, v47;
	[tilespmem:v26+s26+$0x8200] =	vst.idx.msk $0xffff, v20;
	v20 =	vld.idx.msk [tilespmem:v24+s26+$0x200], $0xffff  }
0x5d: {  	v51 =	vand.u32 $0x7, v47;
	v47 =	vshll.u32 v47, $0x7;
	v24 =	vld.idx.msk [tilespmem:v58+s26+$0x200], $0xffff;
	[tilespmem:v59+s25+$0x8200] =	vst.idx.msk $0xffff, v21;
	v21 =	vor.u32 v7, v35  }
0x5e: {  	v33 =	vor.u32 v10, v30;
	v42 =	vor.u32 v4, v19;
	v41 =	vor.u32 v3, v18;
	v25 =	vld.idx.msk [tilespmem:v25+s25+$0x200], $0xffff  }
0x5f: {  	v43 =	vor.u32 v6, v19;
	v46 =	vor.u32 v6, v36;
	v60 =	vor.u32 v3, v38  }
0x60: {  	s29 =	sand.u32 $0x40, s14;
	v34 =	vor.u32 v12, v29;
	v22 =	vor.u32 v9, v31;
	v37 =	vadd.f32 v37, v27  }
0x61: {  	s0 =	sand.u32 $0x30, s14;
	s14 =	sor.u32 s28, s29;
	v32 =	vor.u32 v9, v38;
	v23 =	vor.u32 v4, v36;
	v20 =	vadd.f32 v20, v16  }
0x62: {  	v53 =	vand.u32 $0x7, v49;
	s2 =	sor.u32 s0, s14;
	v26 =	vor.u32 v8, v30;
	v24 =	vadd.f32 v24, v17;
	[tilespmem:v21+s25+$0x8200] =	vst.idx.msk $0xffff, v37  }
0x63: {  	v63 =	vor.u32 s2, v48;
	v50 =	vor.u32 v5, v38;
	v25 =	vadd.f32 v25, v28;
	[tilespmem:v41+s26+$0x8200] =	vst.idx.msk $0xffff, v20  }
0x64: {  	v39 =	vor.u32 s2, v61;
	v55 =	vor.u32 v5, v18;
	[tilespmem:v60+s26+$0x8200] =	vst.idx.msk $0xffff, v24;
	v24 =	vor.u32 s0, v48  }
0x65: {  	v52 =	vor.u32 v7, v18;
	v20 =	vor.u32 s0, v61;
	v21 =	vld.idx.msk [tilespmem:v42+s26+$0x200], $0xffff;
	[tilespmem:v22+s25+$0x8200] =	vst.idx.msk $0xffff, v25;
	v22 =	vand.u32 $0x38, v24  }
0x66: {  	v56 =	vshll.u32 v49, $0x7;
	v23 =	vld.idx.msk [tilespmem:v23+s26+$0x200], $0xffff;
	v25 =	vand.u32 $0x38, v20;
	v22 =	vor.u32 v51, v22  }
0x67: {  	v49 =	vor.u32 v15, v31;
	v26 =	vld.idx.msk [tilespmem:v26+s25+$0x200], $0xffff;
	v25 =	vor.u32 v53, v25;
	v54 =	vor.u32 v1, v22  }
0x68: {  	v29 =	vor.u32 v14, v29;
	v31 =	vor.u32 v13, v31;
	v62 =	vld.idx.msk [tilespmem:v44+s25+$0x200], $0xffff;
	v57 =	vor.u32 v1, v25  }
0x69: {  	s15 =	simm.s32 $0x200;
	v37 =	vand.u32 $0x380, v56;
	v60 =	vand.u32 $0x380, v47;
	v47 =	vor.u32 v13, v35  }
0x6a: {  	s0 =	sand.u32 $0x2000, s15;
	v48 =	vor.u32 v11, v38;
	v20 =	vshll.u32 v20, $0x7;
	v59 =	vadd.f32 v21, v16;
	v21 =	vld.idx.msk [tilespmem:v39+s11+$0x0], $0xffff  }
0x6b: {  	v24 =	vshll.u32 v24, $0x7;
	s29 =	sor.u32 s24, s0;
	v58 =	vadd.f32 v23, v17;
	v23 =	vand.u32 $0x1C00, v20;
	v20 =	vld.idx.msk [tilespmem:v63+s11+$0x0], $0xffff  }
0x6c: {  	v24 =	vand.u32 $0x1C00, v24;
	v44 =	vor.u32 v12, v30;
	v61 =	vadd.f32 v26, v27;
	v42 =	vld.idx.msk [tilespmem:v54+s29+$0x200], $0xffff  }
0x6d: {  	v24 =	vor.u32 v60, v24;
	v41 =	vadd.f32 v62, v28;
	[tilespmem:v50+s26+$0x8200] =	vst.idx.msk $0xffff, v58;
	v62 =	vld.idx.msk [tilespmem:v57+s29+$0x200], $0xffff  }
0x6e: {  	v56 =	vor.u32 v0, v24;
	[tilespmem:v45+s25+$0x8200] =	vst.idx.msk $0xffff, v61;
	v23 =	vor.u32 v37, v23;
	v63 =	vld.idx.msk [tilespmem:v46+s26+$0x200], $0xffff  }
0x6f: {  	v60 =	vor.u32 v2, v25;
	[tilespmem:v55+s26+$0x8200] =	vst.idx.msk $0xffff, v59;
	v58 =	vor.u32 v0, v23  }
0x70: {  	v53 =	vor.u32 v3, v24;
	v59 =	vor.u32 v7, v38;
	v33 =	vld.idx.msk [tilespmem:v33+s25+$0x200], $0xffff;
	[tilespmem:v40+s25+$0x8200] =	vst.idx.msk $0xffff, v41  }
0x71: {  	v39 =	vor.u32 v4, v25;
	v57 =	vor.u32 v2, v22;
	v34 =	vld.idx.msk [tilespmem:v34+s25+$0x200], $0xffff;
	v42 =	vadd.f32 v42, v20  }
0x72: {  	v61 =	vor.u32 v8, v36;
	v45 =	vor.u32 v10, v19;
	v43 =	vld.idx.msk [tilespmem:v43+s26+$0x200], $0xffff;
	v40 =	vadd.f32 v62, v21  }
0x73: {  	v55 =	vor.u32 v6, v22;
	v37 =	vadd.f32 v63, v17;
	[tilespmem:v56+s29+$0x8200] =	vst.idx.msk $0xffff, v42  }
0x74: {  	v26 =	vor.u32 v9, v23;
	v54 =	vor.u32 v4, v22;
	[tilespmem:v58+s29+$0x8200] =	vst.idx.msk $0xffff, v40  }
0x75: {  	s30 =	simm.s32 $0x6;
	v41 =	vor.u32 v11, v35;
	v46 =	vor.u32 v12, v36;
	[tilespmem:v59+s26+$0x8200] =	vst.idx.msk $0xffff, v37;
	v37 =	vld.idx.msk [tilespmem:v60+s29+$0x200], $0xffff  }
0x76: {  	s2 =	sand.u32 $0x3E, s30;
	v51 =	vadd.f32 v33, v27;
	v42 =	vor.u32 v8, v19;
	v34 =	vadd.f32 v34, v28;
	v62 =	vld.idx.msk [tilespmem:v57+s29+$0x200], $0xffff  }
0x77: {  	s14 =	sor.u32 $0x1, s2;
	v33 =	vor.u32 v3, v23;
	v43 =	vadd.f32 v43, v16;
	v56 =	vor.u32 v10, v36;
	v50 =	vld.idx.msk [tilespmem:v61+s26+$0x200], $0xffff  }
0x78: {  	v58 =	vor.u32 v6, v25;
	v57 =	vor.u32 v9, v18;
	v61 =	vadd.s32 s14, v0;
	[tilespmem:v31+s25+$0x8200] =	vst.idx.msk $0xffff, v34  }
0x79: {  	s15 =	sand.u32 $0x30, s30;
	v59 =	vor.u32 v5, v24;
	v60 =	vadd.s32 s2, v0;
	v34 =	vand.u32 $0xF, v61;
	v29 =	vld.idx.msk [tilespmem:v29+s25+$0x200], $0xffff  }
0x7a: {  	[tilespmem:v52+s26+$0x8200] =	vst.idx.msk $0xffff, v43;
	s14 =	sand.u32 $0x40, s30;
	v43 =	vshll.u32 v60, $0x7;
	v52 =	vor.u32 s15, v34;
	v31 =	vadd.f32 v37, v21  }
0x7b: {  	s2 =	sor.u32 s28, s14;
	v43 =	vand.u32 $0x380, v43;
	v42 =	vld.idx.msk [tilespmem:v42+s26+$0x200], $0xffff;
	v63 =	vand.u32 $0x38, v52;
	v40 =	vadd.f32 v62, v20  }
0x7c: {  	s0 =	sor.u32 s15, s2;
	v37 =	vor.u32 v5, v23;
	v62 =	vand.u32 $0xF, v60;
	v50 =	vadd.f32 v50, v17;
	[tilespmem:v33+s29+$0x8200] =	vst.idx.msk $0xffff, v31  }
0x7d: {  	v31 =	vand.u32 $0x7, v61;
	v61 =	vshll.u32 v61, $0x7;
	[tilespmem:v53+s29+$0x8200] =	vst.idx.msk $0xffff, v40;
	v53 =	vor.u32 s0, v34  }
0x7e: {  	v29 =	vadd.f32 v29, v28;
	v33 =	vor.u32 v31, v63;
	v31 =	vor.u32 s15, v62  }
0x7f: {  	[tilespmem:v32+s26+$0x8200] =	vst.idx.msk $0xffff, v50;
	v39 =	vld.idx.msk [tilespmem:v39+s29+$0x200], $0xffff;
	v32 =	vand.u32 $0x380, v61;
	v61 =	vand.u32 $0x7, v60;
	v63 =	vand.u32 $0x38, v31  }
0x80: {  	[tilespmem:v41+s25+$0x8200] =	vst.idx.msk $0xffff, v51;
	v50 =	vld.idx.msk [tilespmem:v56+s26+$0x200], $0xffff;
	v31 =	vshll.u32 v31, $0x7;
	v40 =	vor.u32 v1, v33;
	v56 =	vor.u32 s0, v62  }
0x81: {  	v54 =	vld.idx.msk [tilespmem:v54+s29+$0x200], $0xffff;
	v62 =	vadd.f32 v42, v16;
	v51 =	vor.u32 v2, v33;
	v34 =	vor.u32 v61, v63  }
0x82: {  	s2 =	simm.s32 $0x300;
	[tilespmem:v49+s25+$0x8200] =	vst.idx.msk $0xffff, v29;
	v63 =	vshll.u32 v52, $0x7;
	v31 =	vand.u32 $0x1C00, v31;
	v52 =	vor.u32 v1, v34  }
0x83: {  	s15 =	sand.u32 $0x2000, s2;
	v42 =	vor.u32 v8, v25;
	v49 =	vor.u32 v4, v33;
	v31 =	vor.u32 v43, v31;
	v43 =	vld.idx.msk [tilespmem:v44+s25+$0x200], $0xffff  }
0x84: {  	s0 =	sor.u32 s24, s15;
	v41 =	vor.u32 v4, v34;
	v29 =	vand.u32 $0x1C00, v63;
	v28 =	vld.idx.msk [tilespmem:v53+s11+$0x0], $0xffff;
	v39 =	vadd.f32 v39, v21  }
0x85: {  	v44 =	vor.u32 v14, v30;
	[tilespmem:v57+s26+$0x8200] =	vst.idx.msk $0xffff, v62;
	v60 =	vadd.f32 v50, v17;
	v63 =	vld.idx.msk [tilespmem:v40+s0+$0x200], $0xffff  }
0x86: {  	v32 =	vor.u32 v32, v29;
	v61 =	vadd.f32 v54, v20;
	v29 =	vld.idx.msk [tilespmem:v56+s11+$0x0], $0xffff;
	[tilespmem:v37+s29+$0x8200] =	vst.idx.msk $0xffff, v39  }
0x87: {  	v30 =	vor.u32 v15, v38;
	v57 =	vor.u32 v13, v38;
	[tilespmem:v48+s26+$0x8200] =	vst.idx.msk $0xffff, v60;
	v60 =	vld.idx.msk [tilespmem:v52+s0+$0x200], $0xffff  }
0x88: {  	v38 =	vor.u32 v12, v25;
	v62 =	vor.u32 v0, v32;
	[tilespmem:v59+s29+$0x8200] =	vst.idx.msk $0xffff, v61;
	v61 =	vld.idx.msk [tilespmem:v58+s29+$0x200], $0xffff  }
0x89: {  	v53 =	vor.u32 v14, v36;
	v36 =	vor.u32 v10, v22;
	v52 =	vor.u32 v0, v31;
	v46 =	vld.idx.msk [tilespmem:v46+s26+$0x200], $0xffff  }
0x8a: {  	v56 =	vor.u32 v7, v23;
	v43 =	vadd.f32 v43, v27;
	v54 =	vld.idx.msk [tilespmem:v55+s29+$0x200], $0xffff;
	v55 =	vor.u32 v2, v34  }
0x8b: {  	v45 =	vld.idx.msk [tilespmem:v45+s26+$0x200], $0xffff;
	v40 =	vor.u32 v15, v35;
	v59 =	vor.u32 v11, v18;
	v63 =	vadd.f32 v63, v28  }
0x8c: {  	v58 =	vor.u32 v7, v24;
	[tilespmem:v47+s25+$0x8200] =	vst.idx.msk $0xffff, v43;
	v48 =	vadd.f32 v60, v29  }
0x8d: {  	v44 =	vld.idx.msk [tilespmem:v44+s25+$0x200], $0xffff;
	[tilespmem:v62+s0+$0x8200] =	vst.idx.msk $0xffff, v63;
	v43 =	vadd.f32 v61, v21;
	v60 =	vor.u32 v8, v22  }
0x8e: {  	v35 =	vor.u32 v13, v18;
	v47 =	vld.idx.msk [tilespmem:v51+s0+$0x200], $0xffff;
	v61 =	vadd.f32 v46, v17;
	[tilespmem:v52+s0+$0x8200] =	vst.idx.msk $0xffff, v48  }
0x8f: {  	v50 =	vor.u32 v3, v32;
	v62 =	vadd.f32 v54, v20;
	[tilespmem:v56+s29+$0x8200] =	vst.idx.msk $0xffff, v43;
	v48 =	vld.idx.msk [tilespmem:v55+s0+$0x200], $0xffff  }
0x90: {  	v39 =	vor.u32 v9, v31;
	v63 =	vadd.f32 v45, v16;
	v46 =	vld.idx.msk [tilespmem:v42+s29+$0x200], $0xffff;
	[tilespmem:v57+s26+$0x8200] =	vst.idx.msk $0xffff, v61  }
0x91: {  	v37 =	vor.u32 v12, v19;
	v51 =	vor.u32 v3, v31;
	[tilespmem:v58+s29+$0x8200] =	vst.idx.msk $0xffff, v62;
	v42 =	vld.idx.msk [tilespmem:v53+s26+$0x200], $0xffff  }
0x92: {  	s31 =	sadd.s32 $0x1, s22;
	v43 =	vor.u32 v11, v23;
	[tilespmem:v59+s26+$0x8200] =	vst.idx.msk $0xffff, v63;
	v45 =	vadd.f32 v44, v27;
	v44 =	vld.idx.msk [tilespmem:v60+s29+$0x200], $0xffff  }
.LBB2_3:
0x93: {  	s30 =	sadd.s32 $0x2, s30;
	v52 =	vor.u32 v6, v33;
	v53 =	vor.u32 v10, v25;
	v54 =	vor.u32 v9, v24;
	v27 =	vmovc v33  }
0x94: {  	v55 =	vor.u32 v6, v34;
	v33 =	vadd.f32 v47, v28;
	v47 =	vor.u32 v5, v32;
	v56 =	vmovc v25;
	s14 =	sand.u32 $0x3E, s30;
	p0 =	slt.u32 s30, $0x7E  }
0x95: {  	v58 =	vor.u32 v5, v31;
	v48 =	vadd.f32 v48, v29;
	v57 =	vadd.s32 s14, v0;
	s14 =	sor.u32 $0x1, s14;
	[tilespmem:v40+s25+$0x8200] =	vst.idx.msk $0xffff, v45;
	s25 =	smov.u32 s26;
	s26 =	smov.u32 s29  }
0x96: {  	v25 =	vmovc v34;
	s15 =	sand.u32 $0x40, s30;
	s29 =	smov.u32 s0;
	v40 =	vshll.u32 v57, $0x7;
	v45 =	vadd.s32 s14, v0;
	[tilespmem:v50+s0+$0x8200] =	vst.idx.msk $0xffff, v33;
	v33 =	vadd.f32 v46, v21  }
0x97: {  	v34 =	vand.u32 $0xF, v57;
	s0 =	sand.u32 $0x30, s30;
	s14 =	sor.u32 s28, s15;
	v46 =	vand.u32 $0xF, v45;
	v50 =	vand.u32 $0x7, v45;
	[tilespmem:v51+s29+$0x8200] =	vst.idx.msk $0xffff, v48;
	v48 =	vld.idx.msk [tilespmem:v49+s29+$0x200], $0xffff;
	v49 =	vmovc v23  }
0x98: {  	v51 =	vor.u32 s0, v34;
	s14 =	sor.u32 s0, s14;
	v45 =	vshll.u32 v45, $0x7;
	v23 =	vmovc v31;
	v59 =	vor.u32 s0, v46;
	v60 =	vld.idx.msk [tilespmem:v41+s29+$0x200], $0xffff;
	[tilespmem:v26+s26+$0x8200] =	vst.idx.msk $0xffff, v33  }
0x99: {  	v61 =	vmovc v16;
	v16 =	vmovc v20;
	v40 =	vand.u32 $0x380, v40;
	v31 =	vand.u32 $0x38, v51;
	v41 =	vand.u32 $0x38, v59;
	v53 =	vld.idx.msk [tilespmem:v53+s26+$0x200], $0xffff  }
0x9a: {  	v20 =	vmovc v28;
	v46 =	vor.u32 s14, v46;
	v45 =	vand.u32 $0x380, v45;
	v26 =	vmovc v39;
	v33 =	vor.u32 v50, v41  }
0x9b: {  	v28 =	vand.u32 $0x7, v57;
	v39 =	vshll.u32 v51, $0x7;
	v51 =	vmovc v18;
	v18 =	vmovc v24;
	v50 =	vor.u32 v1, v33  }
0x9c: {  	v62 =	vmovc v35;
	v57 =	vor.u32 s14, v34;
	v34 =	vor.u32 v28, v31;
	v59 =	vshll.u32 v59, $0x7;
	v24 =	vmovc v32  }
0x9d: {  	s2 =	sadd.s32 $0x100, s2;
	v28 =	vand.u32 $0x1C00, v39;
	v35 =	vor.u32 v1, v34;
	v32 =	vadd.f32 v42, v17;
	v17 =	vmovc v21;
	v21 =	vmovc v29  }
0x9e: {  	s0 =	sand.u32 $0x2000, s2;
	v31 =	vor.u32 v40, v28;
	v41 =	vor.u32 v4, v34;
	v29 =	vadd.f32 v60, v21;
	v42 =	vld.idx.msk [tilespmem:v37+s25+$0x200], $0xffff  }
0x9f: {  	s0 =	sor.u32 s24, s0;
	v37 =	vadd.f32 v48, v20;
	v40 =	vadd.f32 v53, v17;
	v28 =	vld.idx.msk [tilespmem:v46+s11+$0x0], $0xffff;
	[tilespmem:v30+s25+$0x8200] =	vst.idx.msk $0xffff, v32  }
0xa0: {  	v44 =	vadd.f32 v44, v16;
	v30 =	vand.u32 $0x1C00, v59;
	v46 =	vld.idx.msk [tilespmem:v50+s0+$0x200], $0xffff;
	[tilespmem:v58+s29+$0x8200] =	vst.idx.msk $0xffff, v29  }
0xa1: {  	v39 =	vor.u32 v9, v31;
	v32 =	vor.u32 v45, v30;
	v29 =	vld.idx.msk [tilespmem:v57+s11+$0x0], $0xffff;
	[tilespmem:v43+s26+$0x8200] =	vst.idx.msk $0xffff, v40  }
0xa2: {  	v19 =	vor.u32 v14, v19;
	v40 =	vor.u32 v15, v51;
	v43 =	vld.idx.msk [tilespmem:v35+s0+$0x200], $0xffff;
	[tilespmem:v47+s29+$0x8200] =	vst.idx.msk $0xffff, v37  }
0xa3: {  	v37 =	vor.u32 v12, v22;
	v35 =	vor.u32 v13, v18;
	v45 =	vld.idx.msk [tilespmem:v55+s29+$0x200], $0xffff;
	[tilespmem:v54+s26+$0x8200] =	vst.idx.msk $0xffff, v44  }
0xa4: {  	v47 =	vor.u32 v2, v33;
	v44 =	vor.u32 v0, v32;
	v42 =	vadd.f32 v42, v61;
	v38 =	vld.idx.msk [tilespmem:v38+s26+$0x200], $0xffff  }
0xa5: {  	v48 =	vor.u32 v0, v31;
	v30 =	vor.u32 v15, v49;
	v51 =	vor.u32 v14, v56;
	v50 =	vld.idx.msk [tilespmem:v52+s29+$0x200], $0xffff  }
0xa6: {  	v53 =	vor.u32 v7, v23;
	v52 =	vor.u32 v2, v34;
	v54 =	vld.idx.msk [tilespmem:v36+s26+$0x200], $0xffff;
	[tilespmem:v62+s25+$0x8200] =	vst.idx.msk $0xffff, v42  }
0xa7: {  	v49 =	vor.u32 v13, v49;
	v36 =	vadd.f32 v46, v28;
	v42 =	vor.u32 v8, v25;
	v55 =	vld.idx.msk [tilespmem:v19+s25+$0x200], $0xffff  }
0xa8: {  	v56 =	vor.u32 v7, v24;
	v57 =	vor.u32 v11, v18;
	v43 =	vadd.f32 v43, v29;
	v19 =	vmovc v22  }
0xa9: {  	v58 =	vor.u32 v8, v27;
	v22 =	vmov v27;
	[tilespmem:v44+s0+$0x8200] =	vst.idx.msk $0xffff, v36;
	v44 =	vadd.f32 v45, v21  }
.Ltmp0:
0xaa: {  	v36 =	vor.u32 v10, v22;
	v27 =	vadd.f32 v38, v17;
	[tilespmem:v48+s0+$0x8200] =	vst.idx.msk $0xffff, v43;
	v47 =	vld.idx.msk [tilespmem:v47+s0+$0x200], $0xffff;
	(pc) =	sbr.rel @p0 .LBB2_3-.Ltmp0, $4  }
0xab: {  	v38 =	vor.u32 v12, v25;
	v48 =	vld.idx.msk [tilespmem:v52+s0+$0x200], $0xffff;
	[tilespmem:v53+s29+$0x8200] =	vst.idx.msk $0xffff, v44;
	v44 =	vadd.f32 v50, v20  }
0xac: {  	v43 =	vor.u32 v11, v23;
	v46 =	vld.idx.msk [tilespmem:v42+s29+$0x200], $0xffff;
	[tilespmem:v49+s26+$0x8200] =	vst.idx.msk $0xffff, v27;
	v27 =	vadd.f32 v54, v16  }
0xad: {  	v50 =	vor.u32 v3, v32;
	v45 =	vadd.f32 v55, v61;
	[tilespmem:v56+s29+$0x8200] =	vst.idx.msk $0xffff, v44;
	v42 =	vld.idx.msk [tilespmem:v51+s26+$0x200], $0xffff  }
0xae: {  	v49 =	vor.u32 v4, v33;
	v51 =	vor.u32 v3, v31;
	v44 =	vld.idx.msk [tilespmem:v58+s29+$0x200], $0xffff;
	[tilespmem:v57+s26+$0x8200] =	vst.idx.msk $0xffff, v27  }
0xaf: {  	_ =	sdelay $0x1  }
0xb0: {  	v47 =	vadd.f32 v47, v28  }
0xb1: {  	v27 =	vadd.f32 v48, v29  }
0xb2: {  	[tilespmem:v50+s0+$0x8200] =	vst.idx.msk $0xffff, v47  }
0xb3: {  	[tilespmem:v51+s0+$0x8200] =	vst.idx.msk $0xffff, v27;
	v61 =	vld.idx.msk [tilespmem:v49+s0+$0x200], $0xffff  }
0xb4: {  	v27 =	vld.idx.msk [tilespmem:v41+s0+$0x200], $0xffff  }
0xb5: {  	v52 =	vor.u32 v5, v32  }
0xb6: {  	v62 =	vor.u32 v5, v31;
	v53 =	vor.u32 v6, v33  }
0xb7: {  	v63 =	vor.u32 v6, v34  }
0xb8: {  	v41 =	vadd.f32 v61, v28  }
0xb9: {  	v27 =	vadd.f32 v27, v29  }
0xba: {  	[tilespmem:v52+s0+$0x8200] =	vst.idx.msk $0xffff, v41  }
0xbb: {  	[tilespmem:v62+s0+$0x8200] =	vst.idx.msk $0xffff, v27;
	v41 =	vld.idx.msk [tilespmem:v53+s0+$0x200], $0xffff  }
0xbc: {  	v27 =	vld.idx.msk [tilespmem:v63+s0+$0x200], $0xffff  }
0xbd: {  	v56 =	vor.u32 v7, v32  }
0xbe: {  	v54 =	vor.u32 v7, v31;
	v57 =	vor.u32 v8, v33  }
0xbf: {  	v55 =	vor.u32 v8, v34  }
0xc0: {  	v41 =	vadd.f32 v41, v28  }
0xc1: {  	v27 =	vadd.f32 v27, v29  }
0xc2: {  	[tilespmem:v56+s0+$0x8200] =	vst.idx.msk $0xffff, v41  }
0xc3: {  	v59 =	vor.u32 v9, v24;
	[tilespmem:v54+s0+$0x8200] =	vst.idx.msk $0xffff, v27;
	v60 =	vld.idx.msk [tilespmem:v57+s0+$0x200], $0xffff  }
0xc4: {  	v27 =	vld.idx.msk [tilespmem:v55+s0+$0x200], $0xffff  }
0xc5: {  	v58 =	vor.u32 v10, v25;
	v62 =	vor.u32 v9, v32  }
0xc6: {  	v44 =	vadd.f32 v44, v20;
	v63 =	vor.u32 v10, v33  }
0xc7: {  	v46 =	vadd.f32 v46, v21;
	v61 =	vor.u32 v10, v34  }
0xc8: {  	[tilespmem:v59+s29+$0x8200] =	vst.idx.msk $0xffff, v44;
	v53 =	vadd.f32 v60, v28  }
0xc9: {  	[tilespmem:v26+s29+$0x8200] =	vst.idx.msk $0xffff, v46;
	v36 =	vld.idx.msk [tilespmem:v36+s29+$0x200], $0xffff;
	v46 =	vadd.f32 v27, v29  }
0xca: {  	v52 =	vld.idx.msk [tilespmem:v58+s29+$0x200], $0xffff;
	[tilespmem:v62+s0+$0x8200] =	vst.idx.msk $0xffff, v53  }
0xcb: {  	v54 =	vor.u32 v11, v24;
	[tilespmem:v39+s0+$0x8200] =	vst.idx.msk $0xffff, v46;
	v41 =	vld.idx.msk [tilespmem:v63+s0+$0x200], $0xffff  }
0xcc: {  	v55 =	vor.u32 v12, v22;
	v26 =	vld.idx.msk [tilespmem:v61+s0+$0x200], $0xffff  }
0xcd: {  	v58 =	vor.u32 v11, v32  }
0xce: {  	v37 =	vld.idx.msk [tilespmem:v37+s26+$0x200], $0xffff;
	v59 =	vor.u32 v12, v33;
	v36 =	vadd.f32 v36, v20;
	v56 =	vor.u32 v11, v31  }
0xcf: {  	v57 =	vor.u32 v12, v34;
	v27 =	vadd.f32 v52, v21  }
0xd0: {  	[tilespmem:v54+s29+$0x8200] =	vst.idx.msk $0xffff, v36;
	v60 =	vadd.f32 v41, v28  }
0xd1: {  	[tilespmem:v43+s29+$0x8200] =	vst.idx.msk $0xffff, v27;
	v61 =	vld.idx.msk [tilespmem:v55+s29+$0x200], $0xffff;
	v26 =	vadd.f32 v26, v29  }
0xd2: {  	v19 =	vor.u32 v14, v19;
	v27 =	vld.idx.msk [tilespmem:v38+s29+$0x200], $0xffff;
	[tilespmem:v58+s0+$0x8200] =	vst.idx.msk $0xffff, v60  }
0xd3: {  	v48 =	vor.u32 v13, v24;
	v37 =	vadd.f32 v37, v16;
	[tilespmem:v56+s0+$0x8200] =	vst.idx.msk $0xffff, v26;
	v51 =	vld.idx.msk [tilespmem:v59+s0+$0x200], $0xffff  }
0xd4: {  	v52 =	vor.u32 v14, v22;
	v62 =	vor.u32 v13, v23;
	v63 =	vld.idx.msk [tilespmem:v57+s0+$0x200], $0xffff  }
0xd5: {  	v50 =	vor.u32 v14, v25;
	[tilespmem:v35+s26+$0x8200] =	vst.idx.msk $0xffff, v37;
	v54 =	vor.u32 v13, v32  }
0xd6: {  	v53 =	vor.u32 v13, v31;
	v56 =	vadd.f32 v61, v20;
	v57 =	vor.u32 v14, v33  }
0xd7: {  	v19 =	vld.idx.msk [tilespmem:v19+s26+$0x200], $0xffff;
	v55 =	vor.u32 v14, v34;
	v27 =	vadd.f32 v27, v21  }
0xd8: {  	[tilespmem:v48+s29+$0x8200] =	vst.idx.msk $0xffff, v56;
	v59 =	vadd.f32 v51, v28  }
0xd9: {  	v18 =	vor.u32 v15, v18;
	[tilespmem:v62+s29+$0x8200] =	vst.idx.msk $0xffff, v27;
	v22 =	vld.idx.msk [tilespmem:v52+s29+$0x200], $0xffff;
	v58 =	vadd.f32 v63, v29  }
0xda: {  	v25 =	vld.idx.msk [tilespmem:v50+s29+$0x200], $0xffff;
	[tilespmem:v54+s0+$0x8200] =	vst.idx.msk $0xffff, v59  }
0xdb: {  	v61 =	vor.u32 v15, v24;
	[tilespmem:v53+s0+$0x8200] =	vst.idx.msk $0xffff, v58;
	v27 =	vld.idx.msk [tilespmem:v57+s0+$0x200], $0xffff  }
0xdc: {  	v16 =	vadd.f32 v19, v16;
	v60 =	vor.u32 v15, v23;
	v26 =	vld.idx.msk [tilespmem:v55+s0+$0x200], $0xffff  }
0xdd: {  	[tilespmem:v40+s25+$0x8200] =	vst.idx.msk $0xffff, v45;
	v17 =	vadd.f32 v42, v17;
	v63 =	vor.u32 v15, v32  }
0xde: {  	[tilespmem:v18+s26+$0x8200] =	vst.idx.msk $0xffff, v16;
	v62 =	vor.u32 v15, v31;
	v16 =	vadd.f32 v22, v20  }
0xdf: {  	p0 =	sne.s32 s31, $0x64;
	[tilespmem:v30+s26+$0x8200] =	vst.idx.msk $0xffff, v17;
	v17 =	vadd.f32 v25, v21  }
.Ltmp1:
0xe0: {  	s2 =	sshll.u32 s22, $0x13;
	[tilespmem:v61+s29+$0x8200] =	vst.idx.msk $0xffff, v16;
	v16 =	vadd.f32 v27, v28;
	(pc) =	sbr.rel @p0 .LBB2_2-.Ltmp1, $4  }
0xe1: {  	s2 =	sor.u32 s5, s2;
	[tilespmem:v60+s29+$0x8200] =	vst.idx.msk $0xffff, v17;
	v17 =	vadd.f32 v26, v29  }
0xe2: {  	s2 =	sshrl.u32 s2, $0x3;
	[tilespmem:v63+s0+$0x8200] =	vst.idx.msk $0xffff, v16  }
0xe3: {  	s30 =	sor.u32 $0x8200, s24;
	s22 =	smov.u32 s31;
	s29 =	sadd.s32 s3, s2;
	[tilespmem:v62+s0+$0x8200] =	vst.idx.msk $0xffff, v17  }
0xe4: {  	[hbm4b:s29+s17] =	stream.strided.scatter [tilespmem:s30], [sflag:s23], $0x4000, s18, s17, $0x38;
	[tilespmem:$0x13400] =	vst v63  }
0xe5: {  	s21 =	sadd.s32 $0x1, s21  }
0xe6: {  	_ =	swait.ge [sflag:s19], $0x4000;
	p0 =	sne.s32 s21, s10  }
.Ltmp2:
0xe7: {  	[sflag:s19] =	ssyncset.done $0x0;
	(pc) =	sbr.rel @p0 .LBB2_1-.Ltmp2, $4  }
0xe8: {  	[sflag:s19] =	ssyncadd.s32 $0xFFFFC000  }
0xe9: {  	_ =	swait.ge [sflag:s20], $0x4000  }
0xea: {  	[sflag:s20] =	ssyncset.done $0x0  }
0xeb: {  	[sflag:s20] =	ssyncadd.s32 $0xFFFFC000  }
0xec: {  	_ =	sfence.sel $0x180000  }
0xed: {  	[bflag:$0x0] =	sbarrier.arrive $0xFFFF  }
0xee: {  	_ =	strace $0x9000004A  }
0xef: {  	s0 =	stileid.u32;
	[bflag:$0x2] =	sbarrier.arrive $0xFFFF  }
0xf0: {  	p0 =	sne.s32 s0, $0x0;
	s0 =	rddreg [dreg:$0x3]  }
0xf1: {  	s0 =	sadd.s32 @!p0 $0x100000, s0  }
0xf2: {  	[sflag:s0] =	ssyncadd.tile.s32 @!p0 $0x1;
	_ =	shalt  }
.Lfunc_end2:
_tile_overlayer_lowered:
.L_overlay_start_2:
0xf3: {  	(tag) =	ssettag $0x2  }
0xf4: {  	s0 =	rddreg [dreg:$0x0];
	s2 =	stileid.u32  }
0xf5: {  	s1 =	rddreg [dreg:$0x1];
	p0 =	sne.s32 s2, $0x0  }
0xf6: {  	s3 =	rddreg [dreg:$0x2];
	[bflag:$0x3] =	sbarrier.arrive $0xFFFF;
	s2 =	simm.s32 @!p0 $0x1C07  }
0xf7: {  	[timem:s3], [sflag:s2] =	dma.local @!p0 [hbm:s0], s1  }
0xf8: {  	s0 =	simm.s32 @!p0 $0x7  }
0xf9: {  	_ =	swait.ge @!p0 [sflag:s0], s1  }
0xfa: {  	s1 =	ssub.s32 @!p0 $0x0, s1;
	[sflag:s0] =	ssyncset.done @!p0 $0x0  }
0xfb: {  	[sflag:s0] =	ssyncadd.s32 @!p0 s1  }
0xfc: {  	[bflag:$0x3] =	sbarrier.arrive $0xFFFF  }
0xfd: {  	_ =	shalt  }

</sc_bundles>
